<compile_context>
chip_gen: v7x
topology: tpu7x:2x2x1
jax: 0.10.2.dev20260603
libtpu: 0.0.44.dev20260713+nightly
codegen_flags: <defaults>
</compile_context>

<pallas_src>
import functools

import jax
import jax.numpy as jnp
from jax import lax
from jax.experimental import pallas as pl
from jax.experimental.pallas import tpu as pltpu
from jax.experimental.pallas import tpu_sc as plsc

B = 16384
HIST = 50
D = 32

_info = plsc.get_sparse_core_info()
NC, NS, L = _info.num_cores, _info.num_subcores, _info.num_lanes
NW = NC * NS
RPW = B // NW
C = 64
NCHUNK = RPW // C
HPC = C * HIST
GSZ = 128
NGS = HPC // GSZ

_mesh = plsc.VectorSubcoreMesh(core_axis_name="c", subcore_axis_name="s")


@functools.partial(
    pl.kernel,
    out_type=jax.ShapeDtypeStruct((B, 4 * D), jnp.float32),
    mesh=_mesh,
    compiler_params=pltpu.CompilerParams(use_tc_tiling_on_sc=False),
    scratch_types=[
        pltpu.VMEM((HPC,), jnp.int32),
        pltpu.VMEM((C,), jnp.int32),
        pltpu.VMEM((C,), jnp.int32),
        pltpu.VMEM((C,), jnp.int32),
        pltpu.VMEM((HPC, D), jnp.float32),
        pltpu.VMEM((C, D), jnp.float32),
        pltpu.VMEM((C, D), jnp.float32),
        pltpu.VMEM((C, D), jnp.float32),
        pltpu.VMEM((C, 4 * D), jnp.float32),
        pltpu.SemaphoreType.DMA,
    ],
)
def _sc_kernel(hids, uid, iid, cid, w_hist, w_user, w_item, w_cat, out,
               hidx, uidx, iidx, cidx, hist_v, urow, irow, crow, outbuf,
               sem):
    wid = lax.axis_index("s") * NC + lax.axis_index("c")
    base = wid * RPW
    inv = jnp.float32(1.0 / HIST)

    def chunk(k, carry):
        cb = base + k * C
        pltpu.sync_copy(hids.at[pl.ds(cb * HIST, HPC)], hidx)
        pltpu.sync_copy(uid.at[pl.ds(cb, C)], uidx)
        pltpu.sync_copy(iid.at[pl.ds(cb, C)], iidx)
        pltpu.sync_copy(cid.at[pl.ds(cb, C)], cidx)

        cps = []
        for s in range(NGS):
            cps.append(pltpu.async_copy(
                w_hist.at[hidx.at[pl.ds(s * GSZ, GSZ)]],
                hist_v.at[pl.ds(s * GSZ, GSZ)], sem))
        cps.append(pltpu.async_copy(w_user.at[uidx], urow, sem))
        cps.append(pltpu.async_copy(w_item.at[iidx], irow, sem))
        cps.append(pltpu.async_copy(w_cat.at[cidx], crow, sem))
        for cp in cps:
            cp.wait()

        def row(r, carry2):
            h0 = r * HIST
            a0 = jnp.zeros((L,), jnp.float32)
            a1 = jnp.zeros((L,), jnp.float32)
            b0 = jnp.zeros((L,), jnp.float32)
            b1 = jnp.zeros((L,), jnp.float32)
            for j in range(0, HIST, 2):
                a0 = a0 + hist_v[h0 + j, pl.ds(0, L)]
                a1 = a1 + hist_v[h0 + j, pl.ds(L, L)]
                b0 = b0 + hist_v[h0 + j + 1, pl.ds(0, L)]
                b1 = b1 + hist_v[h0 + j + 1, pl.ds(L, L)]
            outbuf[r, pl.ds(0, L)] = (a0 + b0) * inv
            outbuf[r, pl.ds(L, L)] = (a1 + b1) * inv
            outbuf[r, pl.ds(2 * L, L)] = urow[r, pl.ds(0, L)]
            outbuf[r, pl.ds(3 * L, L)] = urow[r, pl.ds(L, L)]
            outbuf[r, pl.ds(4 * L, L)] = irow[r, pl.ds(0, L)]
            outbuf[r, pl.ds(5 * L, L)] = irow[r, pl.ds(L, L)]
            outbuf[r, pl.ds(6 * L, L)] = crow[r, pl.ds(0, L)]
            outbuf[r, pl.ds(7 * L, L)] = crow[r, pl.ds(L, L)]
            return carry2

        lax.fori_loop(0, C, row, 0)

        pltpu.sync_copy(outbuf, out.at[pl.ds(cb, C)])
        return carry

    lax.fori_loop(0, NCHUNK, chunk, 0)


def kernel(user_id, item_id, category_id, hist_item_id, W_hist, W_user,
           W_item, W_cat):
    hids = hist_item_id.astype(jnp.int32).reshape(B * HIST)
    uid = user_id.astype(jnp.int32).reshape(B)
    iid = item_id.astype(jnp.int32).reshape(B)
    cid = category_id.astype(jnp.int32).reshape(B)
    return _sc_kernel(hids, uid, iid, cid, W_hist, W_user, W_item, W_cat)

# --- scband reference (transcript-rebuilt; emitter-appended) ---
"""Pipeline reference for scband-base-model-1288490189198 (READ-ONLY COPY).

The authoritative reference and input builder live on the scoring server;
editing this copy changes nothing except your own understanding.
"""

import jax, jax.numpy as jnp
import numpy as np

B = 16384
HIST = 50
V_USER = 1000000
V_ITEM = 1000000
V_CAT = 100000
V_HIST = 1000000
D = 32

def setup_inputs(seed: int = 0) -> dict:
    key = jax.random.key(seed)
    ks = jax.random.split(key, 8)
    user_id = jax.random.randint(ks[0], (B, 1), 0, V_USER)
    item_id = jax.random.randint(ks[1], (B, 1), 0, V_ITEM)
    category_id = jax.random.randint(ks[2], (B, 1), 0, V_CAT)
    hist_item_id = jax.random.randint(ks[3], (B, HIST), 0, V_HIST)
    W_hist = jax.random.normal(ks[4], (V_HIST, D), dtype=jnp.float32) * 0.05
    W_user = jax.random.normal(ks[5], (V_USER, D), dtype=jnp.float32) * 0.05
    W_item = jax.random.normal(ks[6], (V_ITEM, D), dtype=jnp.float32) * 0.05
    W_cat = jax.random.normal(ks[7], (V_CAT, D), dtype=jnp.float32) * 0.05
    return {"user_id": user_id, "item_id": item_id, "category_id": category_id,
            "hist_item_id": hist_item_id, "W_hist": W_hist, "W_user": W_user,
            "W_item": W_item, "W_cat": W_cat}

def reference(user_id, item_id, category_id, hist_item_id, W_hist, W_user, W_item, W_cat):
    # cate_list_features with concat_way='mean': embed then mean over sequence axis
    hist_embd = jnp.take(W_hist, hist_item_id, axis=0)           # [B, HIST, D]
    cate_list_embd = jnp.mean(hist_embd, axis=1)                 # [B, D]
    # cate_features: embed each [B,1] id then flatten -> [B, D]; concat over fields
    u = jnp.take(W_user, user_id, axis=0).reshape(user_id.shape[0], -1)
    i = jnp.take(W_item, item_id, axis=0).reshape(item_id.shape[0], -1)
    c = jnp.take(W_cat, category_id, axis=0).reshape(category_id.shape[0], -1)
    cate_embd = jnp.concatenate([u, i, c], axis=1)               # [B, 3*D]
    # list embeddings first, then categorical embeddings (insertion order in __dict__)
    return jnp.concatenate([cate_list_embd, cate_embd], axis=1)  # [B, 4*D]

if __name__ == "__main__":
    import jax
    _d = setup_inputs()
    print(jax.jit(kernel)(*tuple(_d.values())))

</pallas_src>

<mosaic_0001>
#map = affine_map<(d0, d1) -> (0)>
#map1 = affine_map<(d0, d1) -> (0, 0)>
module attributes {stable_mosaic.version = 14 : i64} {
  func.func @_sc_kernel(%arg0: i32, %arg1: i32, %arg2: memref<819200xi32, #tpu.memory_space<hbm>>, %arg3: memref<16384xi32, #tpu.memory_space<hbm>>, %arg4: memref<16384xi32, #tpu.memory_space<hbm>>, %arg5: memref<16384xi32, #tpu.memory_space<hbm>>, %arg6: memref<1000000x32xf32, #tpu.memory_space<hbm>>, %arg7: memref<1000000x32xf32, #tpu.memory_space<hbm>>, %arg8: memref<1000000x32xf32, #tpu.memory_space<hbm>>, %arg9: memref<100000x32xf32, #tpu.memory_space<hbm>>, %arg10: memref<16384x128xf32, #tpu.memory_space<hbm>>, %arg11: memref<3200xi32, #tpu.memory_space<vmem>>, %arg12: memref<64xi32, #tpu.memory_space<vmem>>, %arg13: memref<64xi32, #tpu.memory_space<vmem>>, %arg14: memref<64xi32, #tpu.memory_space<vmem>>, %arg15: memref<3200x32xf32, #tpu.memory_space<vmem>>, %arg16: memref<64x32xf32, #tpu.memory_space<vmem>>, %arg17: memref<64x32xf32, #tpu.memory_space<vmem>>, %arg18: memref<64x32xf32, #tpu.memory_space<vmem>>, %arg19: memref<64x128xf32, #tpu.memory_space<vmem>>, %arg20: memref<!tpu.dma_semaphore, #tpu.memory_space<semaphore_mem>>) attributes {dimension_semantics = [#tpu.dimension_semantics<core_parallel>, #tpu.dimension_semantics<subcore_parallel>], iteration_bounds = array<i64: 2, 16>, scalar_prefetch = 0 : i64, scratch_operands = 10 : i64, tpu.core_type = #tpu.core_type<sc_vector_subcore>, window_params = [{transform_indices = #map}, {transform_indices = #map}, {transform_indices = #map}, {transform_indices = #map}, {transform_indices = #map1}, {transform_indices = #map1}, {transform_indices = #map1}, {transform_indices = #map1}, {transform_indices = #map1}]} {
    %mul3A = arith.constant 2 : i32
    %mul3A_0 = arith.muli %arg1, %mul3A : i32
    %add3A = arith.addi %mul3A_0, %arg0 : i32
    %mul3A_1 = arith.constant 512 : i32
    %mul3A_2 = arith.muli %add3A, %mul3A_1 : i32
    %scan3A = arith.constant 0 : i32
    %scan3A_3 = arith.constant 2.000000e-02 : f32
    %scan3A_4 = arith.constant 0 : i32
    %scan3A_5 = arith.constant 8 : i32
    %scan3A_6 = arith.addi %scan3A_4, %scan3A_5 : i32
    %scan3A_7 = arith.constant 1 : i32
    scf.for %scan3A_9 = %scan3A_4 to %scan3A_6 step %scan3A_7  : i32 {
      %mul3A_10 = arith.constant 64 : i32
      %mul3A_11 = arith.muli %scan3A_9, %mul3A_10 : i32
      %add3A_12 = arith.addi %mul3A_2, %mul3A_11 : i32
      %mul3A_13 = arith.constant 50 : i32
      %mul3A_14 = arith.muli %add3A_12, %mul3A_13 : i32
      "tpu.region"() ({
        %run_scoped3A = tpu.sem_alloc : memref<!tpu.dma_semaphore, #tpu.memory_space<semaphore_mem>>
        %dma_start3A_437 = tpu.memref_slice %arg2[%mul3A_14] : memref<819200xi32, #tpu.memory_space<hbm>> -> memref<3200xi32, #tpu.memory_space<hbm>>
        %dma_start3A_438 = tpu.memref_slice %arg2[%mul3A_14] : memref<819200xi32, #tpu.memory_space<hbm>> -> memref<3200xi32, #tpu.memory_space<hbm>>
        tpu.enqueue_dma source(%dma_start3A_438 : memref<3200xi32, #tpu.memory_space<hbm>>) target(%arg11 : memref<3200xi32, #tpu.memory_space<vmem>>) target_semaphore(%run_scoped3A : memref<!tpu.dma_semaphore, #tpu.memory_space<semaphore_mem>>)
        %dma_wait3A_439 = tpu.memref_slice %arg2[%mul3A_14] : memref<819200xi32, #tpu.memory_space<hbm>> -> memref<3200xi32, #tpu.memory_space<hbm>>
        %dma_wait3A_440 = tpu.memref_slice %arg2[%mul3A_14] : memref<819200xi32, #tpu.memory_space<hbm>> -> memref<3200xi32, #tpu.memory_space<hbm>>
        tpu.wait_dma2 semaphore(%run_scoped3A : memref<!tpu.dma_semaphore, #tpu.memory_space<semaphore_mem>>) src(%dma_wait3A_440 : memref<3200xi32, #tpu.memory_space<hbm>>) dst(%arg11 : memref<3200xi32, #tpu.memory_space<vmem>>)
        tpu.yield
      }) : () -> ()
      "tpu.region"() ({
        %run_scoped3A = tpu.sem_alloc : memref<!tpu.dma_semaphore, #tpu.memory_space<semaphore_mem>>
        %dma_start3A_437 = tpu.memref_slice %arg3[%add3A_12] : memref<16384xi32, #tpu.memory_space<hbm>> -> memref<64xi32, #tpu.memory_space<hbm>>
        %dma_start3A_438 = tpu.memref_slice %arg3[%add3A_12] : memref<16384xi32, #tpu.memory_space<hbm>> -> memref<64xi32, #tpu.memory_space<hbm>>
        tpu.enqueue_dma source(%dma_start3A_438 : memref<64xi32, #tpu.memory_space<hbm>>) target(%arg12 : memref<64xi32, #tpu.memory_space<vmem>>) target_semaphore(%run_scoped3A : memref<!tpu.dma_semaphore, #tpu.memory_space<semaphore_mem>>)
        %dma_wait3A_439 = tpu.memref_slice %arg3[%add3A_12] : memref<16384xi32, #tpu.memory_space<hbm>> -> memref<64xi32, #tpu.memory_space<hbm>>
        %dma_wait3A_440 = tpu.memref_slice %arg3[%add3A_12] : memref<16384xi32, #tpu.memory_space<hbm>> -> memref<64xi32, #tpu.memory_space<hbm>>
        tpu.wait_dma2 semaphore(%run_scoped3A : memref<!tpu.dma_semaphore, #tpu.memory_space<semaphore_mem>>) src(%dma_wait3A_440 : memref<64xi32, #tpu.memory_space<hbm>>) dst(%arg12 : memref<64xi32, #tpu.memory_space<vmem>>)
        tpu.yield
      }) : () -> ()
      "tpu.region"() ({
        %run_scoped3A = tpu.sem_alloc : memref<!tpu.dma_semaphore, #tpu.memory_space<semaphore_mem>>
        %dma_start3A_437 = tpu.memref_slice %arg4[%add3A_12] : memref<16384xi32, #tpu.memory_space<hbm>> -> memref<64xi32, #tpu.memory_space<hbm>>
        %dma_start3A_438 = tpu.memref_slice %arg4[%add3A_12] : memref<16384xi32, #tpu.memory_space<hbm>> -> memref<64xi32, #tpu.memory_space<hbm>>
        tpu.enqueue_dma source(%dma_start3A_438 : memref<64xi32, #tpu.memory_space<hbm>>) target(%arg13 : memref<64xi32, #tpu.memory_space<vmem>>) target_semaphore(%run_scoped3A : memref<!tpu.dma_semaphore, #tpu.memory_space<semaphore_mem>>)
        %dma_wait3A_439 = tpu.memref_slice %arg4[%add3A_12] : memref<16384xi32, #tpu.memory_space<hbm>> -> memref<64xi32, #tpu.memory_space<hbm>>
        %dma_wait3A_440 = tpu.memref_slice %arg4[%add3A_12] : memref<16384xi32, #tpu.memory_space<hbm>> -> memref<64xi32, #tpu.memory_space<hbm>>
        tpu.wait_dma2 semaphore(%run_scoped3A : memref<!tpu.dma_semaphore, #tpu.memory_space<semaphore_mem>>) src(%dma_wait3A_440 : memref<64xi32, #tpu.memory_space<hbm>>) dst(%arg13 : memref<64xi32, #tpu.memory_space<vmem>>)
        tpu.yield
      }) : () -> ()
      "tpu.region"() ({
        %run_scoped3A = tpu.sem_alloc : memref<!tpu.dma_semaphore, #tpu.memory_space<semaphore_mem>>
        %dma_start3A_437 = tpu.memref_slice %arg5[%add3A_12] : memref<16384xi32, #tpu.memory_space<hbm>> -> memref<64xi32, #tpu.memory_space<hbm>>
        %dma_start3A_438 = tpu.memref_slice %arg5[%add3A_12] : memref<16384xi32, #tpu.memory_space<hbm>> -> memref<64xi32, #tpu.memory_space<hbm>>
        tpu.enqueue_dma source(%dma_start3A_438 : memref<64xi32, #tpu.memory_space<hbm>>) target(%arg14 : memref<64xi32, #tpu.memory_space<vmem>>) target_semaphore(%run_scoped3A : memref<!tpu.dma_semaphore, #tpu.memory_space<semaphore_mem>>)
        %dma_wait3A_439 = tpu.memref_slice %arg5[%add3A_12] : memref<16384xi32, #tpu.memory_space<hbm>> -> memref<64xi32, #tpu.memory_space<hbm>>
        %dma_wait3A_440 = tpu.memref_slice %arg5[%add3A_12] : memref<16384xi32, #tpu.memory_space<hbm>> -> memref<64xi32, #tpu.memory_space<hbm>>
        tpu.wait_dma2 semaphore(%run_scoped3A : memref<!tpu.dma_semaphore, #tpu.memory_space<semaphore_mem>>) src(%dma_wait3A_440 : memref<64xi32, #tpu.memory_space<hbm>>) dst(%arg14 : memref<64xi32, #tpu.memory_space<vmem>>)
        tpu.yield
      }) : () -> ()
      %dma_start3A = arith.constant 0 : i32
      %dma_start3A_15 = arith.constant 0 : i32
      %dma_start3A_16 = tpu.memref_slice %arg15[%dma_start3A, %dma_start3A_15] : memref<3200x32xf32, #tpu.memory_space<vmem>> -> memref<128x32xf32, #tpu.memory_space<vmem>>
      %dma_start3A_17 = arith.constant 0 : i32
      %dma_start3A_18 = tpu.memref_slice %arg11[%dma_start3A_17] : memref<3200xi32, #tpu.memory_space<vmem>> -> memref<128xi32, #tpu.memory_space<vmem>>
      %dma_start3A_19 = arith.constant 0 : i32
      %dma_start3A_20 = arith.constant 0 : i32
      %dma_start3A_21 = tpu.memref_slice %arg6[%dma_start3A_19, %dma_start3A_20] : memref<1000000x32xf32, #tpu.memory_space<hbm>> -> memref<1000000x32xf32, #tpu.memory_space<hbm>>
      tpu.enqueue_indirect_dma source(%dma_start3A_21 : memref<1000000x32xf32, #tpu.memory_space<hbm>>) target(%dma_start3A_16 : memref<128x32xf32, #tpu.memory_space<vmem>>) offsets(%dma_start3A_18 : memref<128xi32, #tpu.memory_space<vmem>>) semaphore(%arg20 : memref<!tpu.dma_semaphore, #tpu.memory_space<semaphore_mem>>)
      %dma_start3A_22 = arith.constant 128 : i32
      %dma_start3A_23 = arith.constant 0 : i32
      %dma_start3A_24 = tpu.memref_slice %arg15[%dma_start3A_22, %dma_start3A_23] : memref<3200x32xf32, #tpu.memory_space<vmem>> -> memref<128x32xf32, #tpu.memory_space<vmem>>
      %dma_start3A_25 = arith.constant 128 : i32
      %dma_start3A_26 = tpu.memref_slice %arg11[%dma_start3A_25] : memref<3200xi32, #tpu.memory_space<vmem>> -> memref<128xi32, #tpu.memory_space<vmem>>
      %dma_start3A_27 = arith.constant 0 : i32
      %dma_start3A_28 = arith.constant 0 : i32
      %dma_start3A_29 = tpu.memref_slice %arg6[%dma_start3A_27, %dma_start3A_28] : memref<1000000x32xf32, #tpu.memory_space<hbm>> -> memref<1000000x32xf32, #tpu.memory_space<hbm>>
      tpu.enqueue_indirect_dma source(%dma_start3A_29 : memref<1000000x32xf32, #tpu.memory_space<hbm>>) target(%dma_start3A_24 : memref<128x32xf32, #tpu.memory_space<vmem>>) offsets(%dma_start3A_26 : memref<128xi32, #tpu.memory_space<vmem>>) semaphore(%arg20 : memref<!tpu.dma_semaphore, #tpu.memory_space<semaphore_mem>>)
      %dma_start3A_30 = arith.constant 256 : i32
      %dma_start3A_31 = arith.constant 0 : i32
      %dma_start3A_32 = tpu.memref_slice %arg15[%dma_start3A_30, %dma_start3A_31] : memref<3200x32xf32, #tpu.memory_space<vmem>> -> memref<128x32xf32, #tpu.memory_space<vmem>>
      %dma_start3A_33 = arith.constant 256 : i32
      %dma_start3A_34 = tpu.memref_slice %arg11[%dma_start3A_33] : memref<3200xi32, #tpu.memory_space<vmem>> -> memref<128xi32, #tpu.memory_space<vmem>>
      %dma_start3A_35 = arith.constant 0 : i32
      %dma_start3A_36 = arith.constant 0 : i32
      %dma_start3A_37 = tpu.memref_slice %arg6[%dma_start3A_35, %dma_start3A_36] : memref<1000000x32xf32, #tpu.memory_space<hbm>> -> memref<1000000x32xf32, #tpu.memory_space<hbm>>
      tpu.enqueue_indirect_dma source(%dma_start3A_37 : memref<1000000x32xf32, #tpu.memory_space<hbm>>) target(%dma_start3A_32 : memref<128x32xf32, #tpu.memory_space<vmem>>) offsets(%dma_start3A_34 : memref<128xi32, #tpu.memory_space<vmem>>) semaphore(%arg20 : memref<!tpu.dma_semaphore, #tpu.memory_space<semaphore_mem>>)
      %dma_start3A_38 = arith.constant 384 : i32
      %dma_start3A_39 = arith.constant 0 : i32
      %dma_start3A_40 = tpu.memref_slice %arg15[%dma_start3A_38, %dma_start3A_39] : memref<3200x32xf32, #tpu.memory_space<vmem>> -> memref<128x32xf32, #tpu.memory_space<vmem>>
      %dma_start3A_41 = arith.constant 384 : i32
      %dma_start3A_42 = tpu.memref_slice %arg11[%dma_start3A_41] : memref<3200xi32, #tpu.memory_space<vmem>> -> memref<128xi32, #tpu.memory_space<vmem>>
      %dma_start3A_43 = arith.constant 0 : i32
      %dma_start3A_44 = arith.constant 0 : i32
      %dma_start3A_45 = tpu.memref_slice %arg6[%dma_start3A_43, %dma_start3A_44] : memref<1000000x32xf32, #tpu.memory_space<hbm>> -> memref<1000000x32xf32, #tpu.memory_space<hbm>>
      tpu.enqueue_indirect_dma source(%dma_start3A_45 : memref<1000000x32xf32, #tpu.memory_space<hbm>>) target(%dma_start3A_40 : memref<128x32xf32, #tpu.memory_space<vmem>>) offsets(%dma_start3A_42 : memref<128xi32, #tpu.memory_space<vmem>>) semaphore(%arg20 : memref<!tpu.dma_semaphore, #tpu.memory_space<semaphore_mem>>)
      %dma_start3A_46 = arith.constant 512 : i32
      %dma_start3A_47 = arith.constant 0 : i32
      %dma_start3A_48 = tpu.memref_slice %arg15[%dma_start3A_46, %dma_start3A_47] : memref<3200x32xf32, #tpu.memory_space<vmem>> -> memref<128x32xf32, #tpu.memory_space<vmem>>
      %dma_start3A_49 = arith.constant 512 : i32
      %dma_start3A_50 = tpu.memref_slice %arg11[%dma_start3A_49] : memref<3200xi32, #tpu.memory_space<vmem>> -> memref<128xi32, #tpu.memory_space<vmem>>
      %dma_start3A_51 = arith.constant 0 : i32
      %dma_start3A_52 = arith.constant 0 : i32
      %dma_start3A_53 = tpu.memref_slice %arg6[%dma_start3A_51, %dma_start3A_52] : memref<1000000x32xf32, #tpu.memory_space<hbm>> -> memref<1000000x32xf32, #tpu.memory_space<hbm>>
      tpu.enqueue_indirect_dma source(%dma_start3A_53 : memref<1000000x32xf32, #tpu.memory_space<hbm>>) target(%dma_start3A_48 : memref<128x32xf32, #tpu.memory_space<vmem>>) offsets(%dma_start3A_50 : memref<128xi32, #tpu.memory_space<vmem>>) semaphore(%arg20 : memref<!tpu.dma_semaphore, #tpu.memory_space<semaphore_mem>>)
      %dma_start3A_54 = arith.constant 640 : i32
      %dma_start3A_55 = arith.constant 0 : i32
      %dma_start3A_56 = tpu.memref_slice %arg15[%dma_start3A_54, %dma_start3A_55] : memref<3200x32xf32, #tpu.memory_space<vmem>> -> memref<128x32xf32, #tpu.memory_space<vmem>>
      %dma_start3A_57 = arith.constant 640 : i32
      %dma_start3A_58 = tpu.memref_slice %arg11[%dma_start3A_57] : memref<3200xi32, #tpu.memory_space<vmem>> -> memref<128xi32, #tpu.memory_space<vmem>>
      %dma_start3A_59 = arith.constant 0 : i32
      %dma_start3A_60 = arith.constant 0 : i32
      %dma_start3A_61 = tpu.memref_slice %arg6[%dma_start3A_59, %dma_start3A_60] : memref<1000000x32xf32, #tpu.memory_space<hbm>> -> memref<1000000x32xf32, #tpu.memory_space<hbm>>
      tpu.enqueue_indirect_dma source(%dma_start3A_61 : memref<1000000x32xf32, #tpu.memory_space<hbm>>) target(%dma_start3A_56 : memref<128x32xf32, #tpu.memory_space<vmem>>) offsets(%dma_start3A_58 : memref<128xi32, #tpu.memory_space<vmem>>) semaphore(%arg20 : memref<!tpu.dma_semaphore, #tpu.memory_space<semaphore_mem>>)
      %dma_start3A_62 = arith.constant 768 : i32
      %dma_start3A_63 = arith.constant 0 : i32
      %dma_start3A_64 = tpu.memref_slice %arg15[%dma_start3A_62, %dma_start3A_63] : memref<3200x32xf32, #tpu.memory_space<vmem>> -> memref<128x32xf32, #tpu.memory_space<vmem>>
      %dma_start3A_65 = arith.constant 768 : i32
      %dma_start3A_66 = tpu.memref_slice %arg11[%dma_start3A_65] : memref<3200xi32, #tpu.memory_space<vmem>> -> memref<128xi32, #tpu.memory_space<vmem>>
      %dma_start3A_67 = arith.constant 0 : i32
      %dma_start3A_68 = arith.constant 0 : i32
      %dma_start3A_69 = tpu.memref_slice %arg6[%dma_start3A_67, %dma_start3A_68] : memref<1000000x32xf32, #tpu.memory_space<hbm>> -> memref<1000000x32xf32, #tpu.memory_space<hbm>>
      tpu.enqueue_indirect_dma source(%dma_start3A_69 : memref<1000000x32xf32, #tpu.memory_space<hbm>>) target(%dma_start3A_64 : memref<128x32xf32, #tpu.memory_space<vmem>>) offsets(%dma_start3A_66 : memref<128xi32, #tpu.memory_space<vmem>>) semaphore(%arg20 : memref<!tpu.dma_semaphore, #tpu.memory_space<semaphore_mem>>)
      %dma_start3A_70 = arith.constant 896 : i32
      %dma_start3A_71 = arith.constant 0 : i32
      %dma_start3A_72 = tpu.memref_slice %arg15[%dma_start3A_70, %dma_start3A_71] : memref<3200x32xf32, #tpu.memory_space<vmem>> -> memref<128x32xf32, #tpu.memory_space<vmem>>
      %dma_start3A_73 = arith.constant 896 : i32
      %dma_start3A_74 = tpu.memref_slice %arg11[%dma_start3A_73] : memref<3200xi32, #tpu.memory_space<vmem>> -> memref<128xi32, #tpu.memory_space<vmem>>
      %dma_start3A_75 = arith.constant 0 : i32
      %dma_start3A_76 = arith.constant 0 : i32
      %dma_start3A_77 = tpu.memref_slice %arg6[%dma_start3A_75, %dma_start3A_76] : memref<1000000x32xf32, #tpu.memory_space<hbm>> -> memref<1000000x32xf32, #tpu.memory_space<hbm>>
      tpu.enqueue_indirect_dma source(%dma_start3A_77 : memref<1000000x32xf32, #tpu.memory_space<hbm>>) target(%dma_start3A_72 : memref<128x32xf32, #tpu.memory_space<vmem>>) offsets(%dma_start3A_74 : memref<128xi32, #tpu.memory_space<vmem>>) semaphore(%arg20 : memref<!tpu.dma_semaphore, #tpu.memory_space<semaphore_mem>>)
      %dma_start3A_78 = arith.constant 1024 : i32
      %dma_start3A_79 = arith.constant 0 : i32
      %dma_start3A_80 = tpu.memref_slice %arg15[%dma_start3A_78, %dma_start3A_79] : memref<3200x32xf32, #tpu.memory_space<vmem>> -> memref<128x32xf32, #tpu.memory_space<vmem>>
      %dma_start3A_81 = arith.constant 1024 : i32
      %dma_start3A_82 = tpu.memref_slice %arg11[%dma_start3A_81] : memref<3200xi32, #tpu.memory_space<vmem>> -> memref<128xi32, #tpu.memory_space<vmem>>
      %dma_start3A_83 = arith.constant 0 : i32
      %dma_start3A_84 = arith.constant 0 : i32
      %dma_start3A_85 = tpu.memref_slice %arg6[%dma_start3A_83, %dma_start3A_84] : memref<1000000x32xf32, #tpu.memory_space<hbm>> -> memref<1000000x32xf32, #tpu.memory_space<hbm>>
      tpu.enqueue_indirect_dma source(%dma_start3A_85 : memref<1000000x32xf32, #tpu.memory_space<hbm>>) target(%dma_start3A_80 : memref<128x32xf32, #tpu.memory_space<vmem>>) offsets(%dma_start3A_82 : memref<128xi32, #tpu.memory_space<vmem>>) semaphore(%arg20 : memref<!tpu.dma_semaphore, #tpu.memory_space<semaphore_mem>>)
      %dma_start3A_86 = arith.constant 1152 : i32
      %dma_start3A_87 = arith.constant 0 : i32
      %dma_start3A_88 = tpu.memref_slice %arg15[%dma_start3A_86, %dma_start3A_87] : memref<3200x32xf32, #tpu.memory_space<vmem>> -> memref<128x32xf32, #tpu.memory_space<vmem>>
      %dma_start3A_89 = arith.constant 1152 : i32
      %dma_start3A_90 = tpu.memref_slice %arg11[%dma_start3A_89] : memref<3200xi32, #tpu.memory_space<vmem>> -> memref<128xi32, #tpu.memory_space<vmem>>
      %dma_start3A_91 = arith.constant 0 : i32
      %dma_start3A_92 = arith.constant 0 : i32
      %dma_start3A_93 = tpu.memref_slice %arg6[%dma_start3A_91, %dma_start3A_92] : memref<1000000x32xf32, #tpu.memory_space<hbm>> -> memref<1000000x32xf32, #tpu.memory_space<hbm>>
      tpu.enqueue_indirect_dma source(%dma_start3A_93 : memref<1000000x32xf32, #tpu.memory_space<hbm>>) target(%dma_start3A_88 : memref<128x32xf32, #tpu.memory_space<vmem>>) offsets(%dma_start3A_90 : memref<128xi32, #tpu.memory_space<vmem>>) semaphore(%arg20 : memref<!tpu.dma_semaphore, #tpu.memory_space<semaphore_mem>>)
      %dma_start3A_94 = arith.constant 1280 : i32
      %dma_start3A_95 = arith.constant 0 : i32
      %dma_start3A_96 = tpu.memref_slice %arg15[%dma_start3A_94, %dma_start3A_95] : memref<3200x32xf32, #tpu.memory_space<vmem>> -> memref<128x32xf32, #tpu.memory_space<vmem>>
      %dma_start3A_97 = arith.constant 1280 : i32
      %dma_start3A_98 = tpu.memref_slice %arg11[%dma_start3A_97] : memref<3200xi32, #tpu.memory_space<vmem>> -> memref<128xi32, #tpu.memory_space<vmem>>
      %dma_start3A_99 = arith.constant 0 : i32
      %dma_start3A_100 = arith.constant 0 : i32
      %dma_start3A_101 = tpu.memref_slice %arg6[%dma_start3A_99, %dma_start3A_100] : memref<1000000x32xf32, #tpu.memory_space<hbm>> -> memref<1000000x32xf32, #tpu.memory_space<hbm>>
      tpu.enqueue_indirect_dma source(%dma_start3A_101 : memref<1000000x32xf32, #tpu.memory_space<hbm>>) target(%dma_start3A_96 : memref<128x32xf32, #tpu.memory_space<vmem>>) offsets(%dma_start3A_98 : memref<128xi32, #tpu.memory_space<vmem>>) semaphore(%arg20 : memref<!tpu.dma_semaphore, #tpu.memory_space<semaphore_mem>>)
      %dma_start3A_102 = arith.constant 1408 : i32
      %dma_start3A_103 = arith.constant 0 : i32
      %dma_start3A_104 = tpu.memref_slice %arg15[%dma_start3A_102, %dma_start3A_103] : memref<3200x32xf32, #tpu.memory_space<vmem>> -> memref<128x32xf32, #tpu.memory_space<vmem>>
      %dma_start3A_105 = arith.constant 1408 : i32
      %dma_start3A_106 = tpu.memref_slice %arg11[%dma_start3A_105] : memref<3200xi32, #tpu.memory_space<vmem>> -> memref<128xi32, #tpu.memory_space<vmem>>
      %dma_start3A_107 = arith.constant 0 : i32
      %dma_start3A_108 = arith.constant 0 : i32
      %dma_start3A_109 = tpu.memref_slice %arg6[%dma_start3A_107, %dma_start3A_108] : memref<1000000x32xf32, #tpu.memory_space<hbm>> -> memref<1000000x32xf32, #tpu.memory_space<hbm>>
      tpu.enqueue_indirect_dma source(%dma_start3A_109 : memref<1000000x32xf32, #tpu.memory_space<hbm>>) target(%dma_start3A_104 : memref<128x32xf32, #tpu.memory_space<vmem>>) offsets(%dma_start3A_106 : memref<128xi32, #tpu.memory_space<vmem>>) semaphore(%arg20 : memref<!tpu.dma_semaphore, #tpu.memory_space<semaphore_mem>>)
      %dma_start3A_110 = arith.constant 1536 : i32
      %dma_start3A_111 = arith.constant 0 : i32
      %dma_start3A_112 = tpu.memref_slice %arg15[%dma_start3A_110, %dma_start3A_111] : memref<3200x32xf32, #tpu.memory_space<vmem>> -> memref<128x32xf32, #tpu.memory_space<vmem>>
      %dma_start3A_113 = arith.constant 1536 : i32
      %dma_start3A_114 = tpu.memref_slice %arg11[%dma_start3A_113] : memref<3200xi32, #tpu.memory_space<vmem>> -> memref<128xi32, #tpu.memory_space<vmem>>
      %dma_start3A_115 = arith.constant 0 : i32
      %dma_start3A_116 = arith.constant 0 : i32
      %dma_start3A_117 = tpu.memref_slice %arg6[%dma_start3A_115, %dma_start3A_116] : memref<1000000x32xf32, #tpu.memory_space<hbm>> -> memref<1000000x32xf32, #tpu.memory_space<hbm>>
      tpu.enqueue_indirect_dma source(%dma_start3A_117 : memref<1000000x32xf32, #tpu.memory_space<hbm>>) target(%dma_start3A_112 : memref<128x32xf32, #tpu.memory_space<vmem>>) offsets(%dma_start3A_114 : memref<128xi32, #tpu.memory_space<vmem>>) semaphore(%arg20 : memref<!tpu.dma_semaphore, #tpu.memory_space<semaphore_mem>>)
      %dma_start3A_118 = arith.constant 1664 : i32
      %dma_start3A_119 = arith.constant 0 : i32
      %dma_start3A_120 = tpu.memref_slice %arg15[%dma_start3A_118, %dma_start3A_119] : memref<3200x32xf32, #tpu.memory_space<vmem>> -> memref<128x32xf32, #tpu.memory_space<vmem>>
      %dma_start3A_121 = arith.constant 1664 : i32
      %dma_start3A_122 = tpu.memref_slice %arg11[%dma_start3A_121] : memref<3200xi32, #tpu.memory_space<vmem>> -> memref<128xi32, #tpu.memory_space<vmem>>
      %dma_start3A_123 = arith.constant 0 : i32
      %dma_start3A_124 = arith.constant 0 : i32
      %dma_start3A_125 = tpu.memref_slice %arg6[%dma_start3A_123, %dma_start3A_124] : memref<1000000x32xf32, #tpu.memory_space<hbm>> -> memref<1000000x32xf32, #tpu.memory_space<hbm>>
      tpu.enqueue_indirect_dma source(%dma_start3A_125 : memref<1000000x32xf32, #tpu.memory_space<hbm>>) target(%dma_start3A_120 : memref<128x32xf32, #tpu.memory_space<vmem>>) offsets(%dma_start3A_122 : memref<128xi32, #tpu.memory_space<vmem>>) semaphore(%arg20 : memref<!tpu.dma_semaphore, #tpu.memory_space<semaphore_mem>>)
      %dma_start3A_126 = arith.constant 1792 : i32
      %dma_start3A_127 = arith.constant 0 : i32
      %dma_start3A_128 = tpu.memref_slice %arg15[%dma_start3A_126, %dma_start3A_127] : memref<3200x32xf32, #tpu.memory_space<vmem>> -> memref<128x32xf32, #tpu.memory_space<vmem>>
      %dma_start3A_129 = arith.constant 1792 : i32
      %dma_start3A_130 = tpu.memref_slice %arg11[%dma_start3A_129] : memref<3200xi32, #tpu.memory_space<vmem>> -> memref<128xi32, #tpu.memory_space<vmem>>
      %dma_start3A_131 = arith.constant 0 : i32
      %dma_start3A_132 = arith.constant 0 : i32
      %dma_start3A_133 = tpu.memref_slice %arg6[%dma_start3A_131, %dma_start3A_132] : memref<1000000x32xf32, #tpu.memory_space<hbm>> -> memref<1000000x32xf32, #tpu.memory_space<hbm>>
      tpu.enqueue_indirect_dma source(%dma_start3A_133 : memref<1000000x32xf32, #tpu.memory_space<hbm>>) target(%dma_start3A_128 : memref<128x32xf32, #tpu.memory_space<vmem>>) offsets(%dma_start3A_130 : memref<128xi32, #tpu.memory_space<vmem>>) semaphore(%arg20 : memref<!tpu.dma_semaphore, #tpu.memory_space<semaphore_mem>>)
      %dma_start3A_134 = arith.constant 1920 : i32
      %dma_start3A_135 = arith.constant 0 : i32
      %dma_start3A_136 = tpu.memref_slice %arg15[%dma_start3A_134, %dma_start3A_135] : memref<3200x32xf32, #tpu.memory_space<vmem>> -> memref<128x32xf32, #tpu.memory_space<vmem>>
      %dma_start3A_137 = arith.constant 1920 : i32
      %dma_start3A_138 = tpu.memref_slice %arg11[%dma_start3A_137] : memref<3200xi32, #tpu.memory_space<vmem>> -> memref<128xi32, #tpu.memory_space<vmem>>
      %dma_start3A_139 = arith.constant 0 : i32
      %dma_start3A_140 = arith.constant 0 : i32
      %dma_start3A_141 = tpu.memref_slice %arg6[%dma_start3A_139, %dma_start3A_140] : memref<1000000x32xf32, #tpu.memory_space<hbm>> -> memref<1000000x32xf32, #tpu.memory_space<hbm>>
      tpu.enqueue_indirect_dma source(%dma_start3A_141 : memref<1000000x32xf32, #tpu.memory_space<hbm>>) target(%dma_start3A_136 : memref<128x32xf32, #tpu.memory_space<vmem>>) offsets(%dma_start3A_138 : memref<128xi32, #tpu.memory_space<vmem>>) semaphore(%arg20 : memref<!tpu.dma_semaphore, #tpu.memory_space<semaphore_mem>>)
      %dma_start3A_142 = arith.constant 2048 : i32
      %dma_start3A_143 = arith.constant 0 : i32
      %dma_start3A_144 = tpu.memref_slice %arg15[%dma_start3A_142, %dma_start3A_143] : memref<3200x32xf32, #tpu.memory_space<vmem>> -> memref<128x32xf32, #tpu.memory_space<vmem>>
      %dma_start3A_145 = arith.constant 2048 : i32
      %dma_start3A_146 = tpu.memref_slice %arg11[%dma_start3A_145] : memref<3200xi32, #tpu.memory_space<vmem>> -> memref<128xi32, #tpu.memory_space<vmem>>
      %dma_start3A_147 = arith.constant 0 : i32
      %dma_start3A_148 = arith.constant 0 : i32
      %dma_start3A_149 = tpu.memref_slice %arg6[%dma_start3A_147, %dma_start3A_148] : memref<1000000x32xf32, #tpu.memory_space<hbm>> -> memref<1000000x32xf32, #tpu.memory_space<hbm>>
      tpu.enqueue_indirect_dma source(%dma_start3A_149 : memref<1000000x32xf32, #tpu.memory_space<hbm>>) target(%dma_start3A_144 : memref<128x32xf32, #tpu.memory_space<vmem>>) offsets(%dma_start3A_146 : memref<128xi32, #tpu.memory_space<vmem>>) semaphore(%arg20 : memref<!tpu.dma_semaphore, #tpu.memory_space<semaphore_mem>>)
      %dma_start3A_150 = arith.constant 2176 : i32
      %dma_start3A_151 = arith.constant 0 : i32
      %dma_start3A_152 = tpu.memref_slice %arg15[%dma_start3A_150, %dma_start3A_151] : memref<3200x32xf32, #tpu.memory_space<vmem>> -> memref<128x32xf32, #tpu.memory_space<vmem>>
      %dma_start3A_153 = arith.constant 2176 : i32
      %dma_start3A_154 = tpu.memref_slice %arg11[%dma_start3A_153] : memref<3200xi32, #tpu.memory_space<vmem>> -> memref<128xi32, #tpu.memory_space<vmem>>
      %dma_start3A_155 = arith.constant 0 : i32
      %dma_start3A_156 = arith.constant 0 : i32
      %dma_start3A_157 = tpu.memref_slice %arg6[%dma_start3A_155, %dma_start3A_156] : memref<1000000x32xf32, #tpu.memory_space<hbm>> -> memref<1000000x32xf32, #tpu.memory_space<hbm>>
      tpu.enqueue_indirect_dma source(%dma_start3A_157 : memref<1000000x32xf32, #tpu.memory_space<hbm>>) target(%dma_start3A_152 : memref<128x32xf32, #tpu.memory_space<vmem>>) offsets(%dma_start3A_154 : memref<128xi32, #tpu.memory_space<vmem>>) semaphore(%arg20 : memref<!tpu.dma_semaphore, #tpu.memory_space<semaphore_mem>>)
      %dma_start3A_158 = arith.constant 2304 : i32
      %dma_start3A_159 = arith.constant 0 : i32
      %dma_start3A_160 = tpu.memref_slice %arg15[%dma_start3A_158, %dma_start3A_159] : memref<3200x32xf32, #tpu.memory_space<vmem>> -> memref<128x32xf32, #tpu.memory_space<vmem>>
      %dma_start3A_161 = arith.constant 2304 : i32
      %dma_start3A_162 = tpu.memref_slice %arg11[%dma_start3A_161] : memref<3200xi32, #tpu.memory_space<vmem>> -> memref<128xi32, #tpu.memory_space<vmem>>
      %dma_start3A_163 = arith.constant 0 : i32
      %dma_start3A_164 = arith.constant 0 : i32
      %dma_start3A_165 = tpu.memref_slice %arg6[%dma_start3A_163, %dma_start3A_164] : memref<1000000x32xf32, #tpu.memory_space<hbm>> -> memref<1000000x32xf32, #tpu.memory_space<hbm>>
      tpu.enqueue_indirect_dma source(%dma_start3A_165 : memref<1000000x32xf32, #tpu.memory_space<hbm>>) target(%dma_start3A_160 : memref<128x32xf32, #tpu.memory_space<vmem>>) offsets(%dma_start3A_162 : memref<128xi32, #tpu.memory_space<vmem>>) semaphore(%arg20 : memref<!tpu.dma_semaphore, #tpu.memory_space<semaphore_mem>>)
      %dma_start3A_166 = arith.constant 2432 : i32
      %dma_start3A_167 = arith.constant 0 : i32
      %dma_start3A_168 = tpu.memref_slice %arg15[%dma_start3A_166, %dma_start3A_167] : memref<3200x32xf32, #tpu.memory_space<vmem>> -> memref<128x32xf32, #tpu.memory_space<vmem>>
      %dma_start3A_169 = arith.constant 2432 : i32
      %dma_start3A_170 = tpu.memref_slice %arg11[%dma_start3A_169] : memref<3200xi32, #tpu.memory_space<vmem>> -> memref<128xi32, #tpu.memory_space<vmem>>
      %dma_start3A_171 = arith.constant 0 : i32
      %dma_start3A_172 = arith.constant 0 : i32
      %dma_start3A_173 = tpu.memref_slice %arg6[%dma_start3A_171, %dma_start3A_172] : memref<1000000x32xf32, #tpu.memory_space<hbm>> -> memref<1000000x32xf32, #tpu.memory_space<hbm>>
      tpu.enqueue_indirect_dma source(%dma_start3A_173 : memref<1000000x32xf32, #tpu.memory_space<hbm>>) target(%dma_start3A_168 : memref<128x32xf32, #tpu.memory_space<vmem>>) offsets(%dma_start3A_170 : memref<128xi32, #tpu.memory_space<vmem>>) semaphore(%arg20 : memref<!tpu.dma_semaphore, #tpu.memory_space<semaphore_mem>>)
      %dma_start3A_174 = arith.constant 2560 : i32
      %dma_start3A_175 = arith.constant 0 : i32
      %dma_start3A_176 = tpu.memref_slice %arg15[%dma_start3A_174, %dma_start3A_175] : memref<3200x32xf32, #tpu.memory_space<vmem>> -> memref<128x32xf32, #tpu.memory_space<vmem>>
      %dma_start3A_177 = arith.constant 2560 : i32
      %dma_start3A_178 = tpu.memref_slice %arg11[%dma_start3A_177] : memref<3200xi32, #tpu.memory_space<vmem>> -> memref<128xi32, #tpu.memory_space<vmem>>
      %dma_start3A_179 = arith.constant 0 : i32
      %dma_start3A_180 = arith.constant 0 : i32
      %dma_start3A_181 = tpu.memref_slice %arg6[%dma_start3A_179, %dma_start3A_180] : memref<1000000x32xf32, #tpu.memory_space<hbm>> -> memref<1000000x32xf32, #tpu.memory_space<hbm>>
      tpu.enqueue_indirect_dma source(%dma_start3A_181 : memref<1000000x32xf32, #tpu.memory_space<hbm>>) target(%dma_start3A_176 : memref<128x32xf32, #tpu.memory_space<vmem>>) offsets(%dma_start3A_178 : memref<128xi32, #tpu.memory_space<vmem>>) semaphore(%arg20 : memref<!tpu.dma_semaphore, #tpu.memory_space<semaphore_mem>>)
      %dma_start3A_182 = arith.constant 2688 : i32
      %dma_start3A_183 = arith.constant 0 : i32
      %dma_start3A_184 = tpu.memref_slice %arg15[%dma_start3A_182, %dma_start3A_183] : memref<3200x32xf32, #tpu.memory_space<vmem>> -> memref<128x32xf32, #tpu.memory_space<vmem>>
      %dma_start3A_185 = arith.constant 2688 : i32
      %dma_start3A_186 = tpu.memref_slice %arg11[%dma_start3A_185] : memref<3200xi32, #tpu.memory_space<vmem>> -> memref<128xi32, #tpu.memory_space<vmem>>
      %dma_start3A_187 = arith.constant 0 : i32
      %dma_start3A_188 = arith.constant 0 : i32
      %dma_start3A_189 = tpu.memref_slice %arg6[%dma_start3A_187, %dma_start3A_188] : memref<1000000x32xf32, #tpu.memory_space<hbm>> -> memref<1000000x32xf32, #tpu.memory_space<hbm>>
      tpu.enqueue_indirect_dma source(%dma_start3A_189 : memref<1000000x32xf32, #tpu.memory_space<hbm>>) target(%dma_start3A_184 : memref<128x32xf32, #tpu.memory_space<vmem>>) offsets(%dma_start3A_186 : memref<128xi32, #tpu.memory_space<vmem>>) semaphore(%arg20 : memref<!tpu.dma_semaphore, #tpu.memory_space<semaphore_mem>>)
      %dma_start3A_190 = arith.constant 2816 : i32
      %dma_start3A_191 = arith.constant 0 : i32
      %dma_start3A_192 = tpu.memref_slice %arg15[%dma_start3A_190, %dma_start3A_191] : memref<3200x32xf32, #tpu.memory_space<vmem>> -> memref<128x32xf32, #tpu.memory_space<vmem>>
      %dma_start3A_193 = arith.constant 2816 : i32
      %dma_start3A_194 = tpu.memref_slice %arg11[%dma_start3A_193] : memref<3200xi32, #tpu.memory_space<vmem>> -> memref<128xi32, #tpu.memory_space<vmem>>
      %dma_start3A_195 = arith.constant 0 : i32
      %dma_start3A_196 = arith.constant 0 : i32
      %dma_start3A_197 = tpu.memref_slice %arg6[%dma_start3A_195, %dma_start3A_196] : memref<1000000x32xf32, #tpu.memory_space<hbm>> -> memref<1000000x32xf32, #tpu.memory_space<hbm>>
      tpu.enqueue_indirect_dma source(%dma_start3A_197 : memref<1000000x32xf32, #tpu.memory_space<hbm>>) target(%dma_start3A_192 : memref<128x32xf32, #tpu.memory_space<vmem>>) offsets(%dma_start3A_194 : memref<128xi32, #tpu.memory_space<vmem>>) semaphore(%arg20 : memref<!tpu.dma_semaphore, #tpu.memory_space<semaphore_mem>>)
      %dma_start3A_198 = arith.constant 2944 : i32
      %dma_start3A_199 = arith.constant 0 : i32
      %dma_start3A_200 = tpu.memref_slice %arg15[%dma_start3A_198, %dma_start3A_199] : memref<3200x32xf32, #tpu.memory_space<vmem>> -> memref<128x32xf32, #tpu.memory_space<vmem>>
      %dma_start3A_201 = arith.constant 2944 : i32
      %dma_start3A_202 = tpu.memref_slice %arg11[%dma_start3A_201] : memref<3200xi32, #tpu.memory_space<vmem>> -> memref<128xi32, #tpu.memory_space<vmem>>
      %dma_start3A_203 = arith.constant 0 : i32
      %dma_start3A_204 = arith.constant 0 : i32
      %dma_start3A_205 = tpu.memref_slice %arg6[%dma_start3A_203, %dma_start3A_204] : memref<1000000x32xf32, #tpu.memory_space<hbm>> -> memref<1000000x32xf32, #tpu.memory_space<hbm>>
      tpu.enqueue_indirect_dma source(%dma_start3A_205 : memref<1000000x32xf32, #tpu.memory_space<hbm>>) target(%dma_start3A_200 : memref<128x32xf32, #tpu.memory_space<vmem>>) offsets(%dma_start3A_202 : memref<128xi32, #tpu.memory_space<vmem>>) semaphore(%arg20 : memref<!tpu.dma_semaphore, #tpu.memory_space<semaphore_mem>>)
      %dma_start3A_206 = arith.constant 3072 : i32
      %dma_start3A_207 = arith.constant 0 : i32
      %dma_start3A_208 = tpu.memref_slice %arg15[%dma_start3A_206, %dma_start3A_207] : memref<3200x32xf32, #tpu.memory_space<vmem>> -> memref<128x32xf32, #tpu.memory_space<vmem>>
      %dma_start3A_209 = arith.constant 3072 : i32
      %dma_start3A_210 = tpu.memref_slice %arg11[%dma_start3A_209] : memref<3200xi32, #tpu.memory_space<vmem>> -> memref<128xi32, #tpu.memory_space<vmem>>
      %dma_start3A_211 = arith.constant 0 : i32
      %dma_start3A_212 = arith.constant 0 : i32
      %dma_start3A_213 = tpu.memref_slice %arg6[%dma_start3A_211, %dma_start3A_212] : memref<1000000x32xf32, #tpu.memory_space<hbm>> -> memref<1000000x32xf32, #tpu.memory_space<hbm>>
      tpu.enqueue_indirect_dma source(%dma_start3A_213 : memref<1000000x32xf32, #tpu.memory_space<hbm>>) target(%dma_start3A_208 : memref<128x32xf32, #tpu.memory_space<vmem>>) offsets(%dma_start3A_210 : memref<128xi32, #tpu.memory_space<vmem>>) semaphore(%arg20 : memref<!tpu.dma_semaphore, #tpu.memory_space<semaphore_mem>>)
      %dma_start3A_214 = arith.constant 0 : i32
      %dma_start3A_215 = arith.constant 0 : i32
      %dma_start3A_216 = tpu.memref_slice %arg7[%dma_start3A_214, %dma_start3A_215] : memref<1000000x32xf32, #tpu.memory_space<hbm>> -> memref<1000000x32xf32, #tpu.memory_space<hbm>>
      tpu.enqueue_indirect_dma source(%dma_start3A_216 : memref<1000000x32xf32, #tpu.memory_space<hbm>>) target(%arg16 : memref<64x32xf32, #tpu.memory_space<vmem>>) offsets(%arg12 : memref<64xi32, #tpu.memory_space<vmem>>) semaphore(%arg20 : memref<!tpu.dma_semaphore, #tpu.memory_space<semaphore_mem>>)
      %dma_start3A_217 = arith.constant 0 : i32
      %dma_start3A_218 = arith.constant 0 : i32
      %dma_start3A_219 = tpu.memref_slice %arg8[%dma_start3A_217, %dma_start3A_218] : memref<1000000x32xf32, #tpu.memory_space<hbm>> -> memref<1000000x32xf32, #tpu.memory_space<hbm>>
      tpu.enqueue_indirect_dma source(%dma_start3A_219 : memref<1000000x32xf32, #tpu.memory_space<hbm>>) target(%arg17 : memref<64x32xf32, #tpu.memory_space<vmem>>) offsets(%arg13 : memref<64xi32, #tpu.memory_space<vmem>>) semaphore(%arg20 : memref<!tpu.dma_semaphore, #tpu.memory_space<semaphore_mem>>)
      %dma_start3A_220 = arith.constant 0 : i32
      %dma_start3A_221 = arith.constant 0 : i32
      %dma_start3A_222 = tpu.memref_slice %arg9[%dma_start3A_220, %dma_start3A_221] : memref<100000x32xf32, #tpu.memory_space<hbm>> -> memref<100000x32xf32, #tpu.memory_space<hbm>>
      tpu.enqueue_indirect_dma source(%dma_start3A_222 : memref<100000x32xf32, #tpu.memory_space<hbm>>) target(%arg18 : memref<64x32xf32, #tpu.memory_space<vmem>>) offsets(%arg14 : memref<64xi32, #tpu.memory_space<vmem>>) semaphore(%arg20 : memref<!tpu.dma_semaphore, #tpu.memory_space<semaphore_mem>>)
      %dma_wait3A = arith.constant 0 : i32
      %dma_wait3A_223 = arith.constant 0 : i32
      %dma_wait3A_224 = tpu.memref_slice %arg15[%dma_wait3A, %dma_wait3A_223] : memref<3200x32xf32, #tpu.memory_space<vmem>> -> memref<128x32xf32, #tpu.memory_space<vmem>>
      %dma_wait3A_225 = arith.constant 0 : i32
      %dma_wait3A_226 = tpu.memref_slice %arg11[%dma_wait3A_225] : memref<3200xi32, #tpu.memory_space<vmem>> -> memref<128xi32, #tpu.memory_space<vmem>>
      %dma_wait3A_227 = arith.constant 0 : i32
      %dma_wait3A_228 = arith.constant 0 : i32
      %dma_wait3A_229 = tpu.memref_slice %arg6[%dma_wait3A_227, %dma_wait3A_228] : memref<1000000x32xf32, #tpu.memory_space<hbm>> -> memref<1000000x32xf32, #tpu.memory_space<hbm>>
      tpu.wait_indirect_dma semaphore(%arg20 : memref<!tpu.dma_semaphore, #tpu.memory_space<semaphore_mem>>) src(%dma_wait3A_229 : memref<1000000x32xf32, #tpu.memory_space<hbm>>) dst(%dma_wait3A_224 : memref<128x32xf32, #tpu.memory_space<vmem>>)
      %dma_wait3A_230 = arith.constant 128 : i32
      %dma_wait3A_231 = arith.constant 0 : i32
      %dma_wait3A_232 = tpu.memref_slice %arg15[%dma_wait3A_230, %dma_wait3A_231] : memref<3200x32xf32, #tpu.memory_space<vmem>> -> memref<128x32xf32, #tpu.memory_space<vmem>>
      %dma_wait3A_233 = arith.constant 128 : i32
      %dma_wait3A_234 = tpu.memref_slice %arg11[%dma_wait3A_233] : memref<3200xi32, #tpu.memory_space<vmem>> -> memref<128xi32, #tpu.memory_space<vmem>>
      %dma_wait3A_235 = arith.constant 0 : i32
      %dma_wait3A_236 = arith.constant 0 : i32
      %dma_wait3A_237 = tpu.memref_slice %arg6[%dma_wait3A_235, %dma_wait3A_236] : memref<1000000x32xf32, #tpu.memory_space<hbm>> -> memref<1000000x32xf32, #tpu.memory_space<hbm>>
      tpu.wait_indirect_dma semaphore(%arg20 : memref<!tpu.dma_semaphore, #tpu.memory_space<semaphore_mem>>) src(%dma_wait3A_237 : memref<1000000x32xf32, #tpu.memory_space<hbm>>) dst(%dma_wait3A_232 : memref<128x32xf32, #tpu.memory_space<vmem>>)
      %dma_wait3A_238 = arith.constant 256 : i32
      %dma_wait3A_239 = arith.constant 0 : i32
      %dma_wait3A_240 = tpu.memref_slice %arg15[%dma_wait3A_238, %dma_wait3A_239] : memref<3200x32xf32, #tpu.memory_space<vmem>> -> memref<128x32xf32, #tpu.memory_space<vmem>>
      %dma_wait3A_241 = arith.constant 256 : i32
      %dma_wait3A_242 = tpu.memref_slice %arg11[%dma_wait3A_241] : memref<3200xi32, #tpu.memory_space<vmem>> -> memref<128xi32, #tpu.memory_space<vmem>>
      %dma_wait3A_243 = arith.constant 0 : i32
      %dma_wait3A_244 = arith.constant 0 : i32
      %dma_wait3A_245 = tpu.memref_slice %arg6[%dma_wait3A_243, %dma_wait3A_244] : memref<1000000x32xf32, #tpu.memory_space<hbm>> -> memref<1000000x32xf32, #tpu.memory_space<hbm>>
      tpu.wait_indirect_dma semaphore(%arg20 : memref<!tpu.dma_semaphore, #tpu.memory_space<semaphore_mem>>) src(%dma_wait3A_245 : memref<1000000x32xf32, #tpu.memory_space<hbm>>) dst(%dma_wait3A_240 : memref<128x32xf32, #tpu.memory_space<vmem>>)
      %dma_wait3A_246 = arith.constant 384 : i32
      %dma_wait3A_247 = arith.constant 0 : i32
      %dma_wait3A_248 = tpu.memref_slice %arg15[%dma_wait3A_246, %dma_wait3A_247] : memref<3200x32xf32, #tpu.memory_space<vmem>> -> memref<128x32xf32, #tpu.memory_space<vmem>>
      %dma_wait3A_249 = arith.constant 384 : i32
      %dma_wait3A_250 = tpu.memref_slice %arg11[%dma_wait3A_249] : memref<3200xi32, #tpu.memory_space<vmem>> -> memref<128xi32, #tpu.memory_space<vmem>>
      %dma_wait3A_251 = arith.constant 0 : i32
      %dma_wait3A_252 = arith.constant 0 : i32
      %dma_wait3A_253 = tpu.memref_slice %arg6[%dma_wait3A_251, %dma_wait3A_252] : memref<1000000x32xf32, #tpu.memory_space<hbm>> -> memref<1000000x32xf32, #tpu.memory_space<hbm>>
      tpu.wait_indirect_dma semaphore(%arg20 : memref<!tpu.dma_semaphore, #tpu.memory_space<semaphore_mem>>) src(%dma_wait3A_253 : memref<1000000x32xf32, #tpu.memory_space<hbm>>) dst(%dma_wait3A_248 : memref<128x32xf32, #tpu.memory_space<vmem>>)
      %dma_wait3A_254 = arith.constant 512 : i32
      %dma_wait3A_255 = arith.constant 0 : i32
      %dma_wait3A_256 = tpu.memref_slice %arg15[%dma_wait3A_254, %dma_wait3A_255] : memref<3200x32xf32, #tpu.memory_space<vmem>> -> memref<128x32xf32, #tpu.memory_space<vmem>>
      %dma_wait3A_257 = arith.constant 512 : i32
      %dma_wait3A_258 = tpu.memref_slice %arg11[%dma_wait3A_257] : memref<3200xi32, #tpu.memory_space<vmem>> -> memref<128xi32, #tpu.memory_space<vmem>>
      %dma_wait3A_259 = arith.constant 0 : i32
      %dma_wait3A_260 = arith.constant 0 : i32
      %dma_wait3A_261 = tpu.memref_slice %arg6[%dma_wait3A_259, %dma_wait3A_260] : memref<1000000x32xf32, #tpu.memory_space<hbm>> -> memref<1000000x32xf32, #tpu.memory_space<hbm>>
      tpu.wait_indirect_dma semaphore(%arg20 : memref<!tpu.dma_semaphore, #tpu.memory_space<semaphore_mem>>) src(%dma_wait3A_261 : memref<1000000x32xf32, #tpu.memory_space<hbm>>) dst(%dma_wait3A_256 : memref<128x32xf32, #tpu.memory_space<vmem>>)
      %dma_wait3A_262 = arith.constant 640 : i32
      %dma_wait3A_263 = arith.constant 0 : i32
      %dma_wait3A_264 = tpu.memref_slice %arg15[%dma_wait3A_262, %dma_wait3A_263] : memref<3200x32xf32, #tpu.memory_space<vmem>> -> memref<128x32xf32, #tpu.memory_space<vmem>>
      %dma_wait3A_265 = arith.constant 640 : i32
      %dma_wait3A_266 = tpu.memref_slice %arg11[%dma_wait3A_265] : memref<3200xi32, #tpu.memory_space<vmem>> -> memref<128xi32, #tpu.memory_space<vmem>>
      %dma_wait3A_267 = arith.constant 0 : i32
      %dma_wait3A_268 = arith.constant 0 : i32
      %dma_wait3A_269 = tpu.memref_slice %arg6[%dma_wait3A_267, %dma_wait3A_268] : memref<1000000x32xf32, #tpu.memory_space<hbm>> -> memref<1000000x32xf32, #tpu.memory_space<hbm>>
      tpu.wait_indirect_dma semaphore(%arg20 : memref<!tpu.dma_semaphore, #tpu.memory_space<semaphore_mem>>) src(%dma_wait3A_269 : memref<1000000x32xf32, #tpu.memory_space<hbm>>) dst(%dma_wait3A_264 : memref<128x32xf32, #tpu.memory_space<vmem>>)
      %dma_wait3A_270 = arith.constant 768 : i32
      %dma_wait3A_271 = arith.constant 0 : i32
      %dma_wait3A_272 = tpu.memref_slice %arg15[%dma_wait3A_270, %dma_wait3A_271] : memref<3200x32xf32, #tpu.memory_space<vmem>> -> memref<128x32xf32, #tpu.memory_space<vmem>>
      %dma_wait3A_273 = arith.constant 768 : i32
      %dma_wait3A_274 = tpu.memref_slice %arg11[%dma_wait3A_273] : memref<3200xi32, #tpu.memory_space<vmem>> -> memref<128xi32, #tpu.memory_space<vmem>>
      %dma_wait3A_275 = arith.constant 0 : i32
      %dma_wait3A_276 = arith.constant 0 : i32
      %dma_wait3A_277 = tpu.memref_slice %arg6[%dma_wait3A_275, %dma_wait3A_276] : memref<1000000x32xf32, #tpu.memory_space<hbm>> -> memref<1000000x32xf32, #tpu.memory_space<hbm>>
      tpu.wait_indirect_dma semaphore(%arg20 : memref<!tpu.dma_semaphore, #tpu.memory_space<semaphore_mem>>) src(%dma_wait3A_277 : memref<1000000x32xf32, #tpu.memory_space<hbm>>) dst(%dma_wait3A_272 : memref<128x32xf32, #tpu.memory_space<vmem>>)
      %dma_wait3A_278 = arith.constant 896 : i32
      %dma_wait3A_279 = arith.constant 0 : i32
      %dma_wait3A_280 = tpu.memref_slice %arg15[%dma_wait3A_278, %dma_wait3A_279] : memref<3200x32xf32, #tpu.memory_space<vmem>> -> memref<128x32xf32, #tpu.memory_space<vmem>>
      %dma_wait3A_281 = arith.constant 896 : i32
      %dma_wait3A_282 = tpu.memref_slice %arg11[%dma_wait3A_281] : memref<3200xi32, #tpu.memory_space<vmem>> -> memref<128xi32, #tpu.memory_space<vmem>>
      %dma_wait3A_283 = arith.constant 0 : i32
      %dma_wait3A_284 = arith.constant 0 : i32
      %dma_wait3A_285 = tpu.memref_slice %arg6[%dma_wait3A_283, %dma_wait3A_284] : memref<1000000x32xf32, #tpu.memory_space<hbm>> -> memref<1000000x32xf32, #tpu.memory_space<hbm>>
      tpu.wait_indirect_dma semaphore(%arg20 : memref<!tpu.dma_semaphore, #tpu.memory_space<semaphore_mem>>) src(%dma_wait3A_285 : memref<1000000x32xf32, #tpu.memory_space<hbm>>) dst(%dma_wait3A_280 : memref<128x32xf32, #tpu.memory_space<vmem>>)
      %dma_wait3A_286 = arith.constant 1024 : i32
      %dma_wait3A_287 = arith.constant 0 : i32
      %dma_wait3A_288 = tpu.memref_slice %arg15[%dma_wait3A_286, %dma_wait3A_287] : memref<3200x32xf32, #tpu.memory_space<vmem>> -> memref<128x32xf32, #tpu.memory_space<vmem>>
      %dma_wait3A_289 = arith.constant 1024 : i32
      %dma_wait3A_290 = tpu.memref_slice %arg11[%dma_wait3A_289] : memref<3200xi32, #tpu.memory_space<vmem>> -> memref<128xi32, #tpu.memory_space<vmem>>
      %dma_wait3A_291 = arith.constant 0 : i32
      %dma_wait3A_292 = arith.constant 0 : i32
      %dma_wait3A_293 = tpu.memref_slice %arg6[%dma_wait3A_291, %dma_wait3A_292] : memref<1000000x32xf32, #tpu.memory_space<hbm>> -> memref<1000000x32xf32, #tpu.memory_space<hbm>>
      tpu.wait_indirect_dma semaphore(%arg20 : memref<!tpu.dma_semaphore, #tpu.memory_space<semaphore_mem>>) src(%dma_wait3A_293 : memref<1000000x32xf32, #tpu.memory_space<hbm>>) dst(%dma_wait3A_288 : memref<128x32xf32, #tpu.memory_space<vmem>>)
      %dma_wait3A_294 = arith.constant 1152 : i32
      %dma_wait3A_295 = arith.constant 0 : i32
      %dma_wait3A_296 = tpu.memref_slice %arg15[%dma_wait3A_294, %dma_wait3A_295] : memref<3200x32xf32, #tpu.memory_space<vmem>> -> memref<128x32xf32, #tpu.memory_space<vmem>>
      %dma_wait3A_297 = arith.constant 1152 : i32
      %dma_wait3A_298 = tpu.memref_slice %arg11[%dma_wait3A_297] : memref<3200xi32, #tpu.memory_space<vmem>> -> memref<128xi32, #tpu.memory_space<vmem>>
      %dma_wait3A_299 = arith.constant 0 : i32
      %dma_wait3A_300 = arith.constant 0 : i32
      %dma_wait3A_301 = tpu.memref_slice %arg6[%dma_wait3A_299, %dma_wait3A_300] : memref<1000000x32xf32, #tpu.memory_space<hbm>> -> memref<1000000x32xf32, #tpu.memory_space<hbm>>
      tpu.wait_indirect_dma semaphore(%arg20 : memref<!tpu.dma_semaphore, #tpu.memory_space<semaphore_mem>>) src(%dma_wait3A_301 : memref<1000000x32xf32, #tpu.memory_space<hbm>>) dst(%dma_wait3A_296 : memref<128x32xf32, #tpu.memory_space<vmem>>)
      %dma_wait3A_302 = arith.constant 1280 : i32
      %dma_wait3A_303 = arith.constant 0 : i32
      %dma_wait3A_304 = tpu.memref_slice %arg15[%dma_wait3A_302, %dma_wait3A_303] : memref<3200x32xf32, #tpu.memory_space<vmem>> -> memref<128x32xf32, #tpu.memory_space<vmem>>
      %dma_wait3A_305 = arith.constant 1280 : i32
      %dma_wait3A_306 = tpu.memref_slice %arg11[%dma_wait3A_305] : memref<3200xi32, #tpu.memory_space<vmem>> -> memref<128xi32, #tpu.memory_space<vmem>>
      %dma_wait3A_307 = arith.constant 0 : i32
      %dma_wait3A_308 = arith.constant 0 : i32
      %dma_wait3A_309 = tpu.memref_slice %arg6[%dma_wait3A_307, %dma_wait3A_308] : memref<1000000x32xf32, #tpu.memory_space<hbm>> -> memref<1000000x32xf32, #tpu.memory_space<hbm>>
      tpu.wait_indirect_dma semaphore(%arg20 : memref<!tpu.dma_semaphore, #tpu.memory_space<semaphore_mem>>) src(%dma_wait3A_309 : memref<1000000x32xf32, #tpu.memory_space<hbm>>) dst(%dma_wait3A_304 : memref<128x32xf32, #tpu.memory_space<vmem>>)
      %dma_wait3A_310 = arith.constant 1408 : i32
      %dma_wait3A_311 = arith.constant 0 : i32
      %dma_wait3A_312 = tpu.memref_slice %arg15[%dma_wait3A_310, %dma_wait3A_311] : memref<3200x32xf32, #tpu.memory_space<vmem>> -> memref<128x32xf32, #tpu.memory_space<vmem>>
      %dma_wait3A_313 = arith.constant 1408 : i32
      %dma_wait3A_314 = tpu.memref_slice %arg11[%dma_wait3A_313] : memref<3200xi32, #tpu.memory_space<vmem>> -> memref<128xi32, #tpu.memory_space<vmem>>
      %dma_wait3A_315 = arith.constant 0 : i32
      %dma_wait3A_316 = arith.constant 0 : i32
      %dma_wait3A_317 = tpu.memref_slice %arg6[%dma_wait3A_315, %dma_wait3A_316] : memref<1000000x32xf32, #tpu.memory_space<hbm>> -> memref<1000000x32xf32, #tpu.memory_space<hbm>>
      tpu.wait_indirect_dma semaphore(%arg20 : memref<!tpu.dma_semaphore, #tpu.memory_space<semaphore_mem>>) src(%dma_wait3A_317 : memref<1000000x32xf32, #tpu.memory_space<hbm>>) dst(%dma_wait3A_312 : memref<128x32xf32, #tpu.memory_space<vmem>>)
      %dma_wait3A_318 = arith.constant 1536 : i32
      %dma_wait3A_319 = arith.constant 0 : i32
      %dma_wait3A_320 = tpu.memref_slice %arg15[%dma_wait3A_318, %dma_wait3A_319] : memref<3200x32xf32, #tpu.memory_space<vmem>> -> memref<128x32xf32, #tpu.memory_space<vmem>>
      %dma_wait3A_321 = arith.constant 1536 : i32
      %dma_wait3A_322 = tpu.memref_slice %arg11[%dma_wait3A_321] : memref<3200xi32, #tpu.memory_space<vmem>> -> memref<128xi32, #tpu.memory_space<vmem>>
      %dma_wait3A_323 = arith.constant 0 : i32
      %dma_wait3A_324 = arith.constant 0 : i32
      %dma_wait3A_325 = tpu.memref_slice %arg6[%dma_wait3A_323, %dma_wait3A_324] : memref<1000000x32xf32, #tpu.memory_space<hbm>> -> memref<1000000x32xf32, #tpu.memory_space<hbm>>
      tpu.wait_indirect_dma semaphore(%arg20 : memref<!tpu.dma_semaphore, #tpu.memory_space<semaphore_mem>>) src(%dma_wait3A_325 : memref<1000000x32xf32, #tpu.memory_space<hbm>>) dst(%dma_wait3A_320 : memref<128x32xf32, #tpu.memory_space<vmem>>)
      %dma_wait3A_326 = arith.constant 1664 : i32
      %dma_wait3A_327 = arith.constant 0 : i32
      %dma_wait3A_328 = tpu.memref_slice %arg15[%dma_wait3A_326, %dma_wait3A_327] : memref<3200x32xf32, #tpu.memory_space<vmem>> -> memref<128x32xf32, #tpu.memory_space<vmem>>
      %dma_wait3A_329 = arith.constant 1664 : i32
      %dma_wait3A_330 = tpu.memref_slice %arg11[%dma_wait3A_329] : memref<3200xi32, #tpu.memory_space<vmem>> -> memref<128xi32, #tpu.memory_space<vmem>>
      %dma_wait3A_331 = arith.constant 0 : i32
      %dma_wait3A_332 = arith.constant 0 : i32
      %dma_wait3A_333 = tpu.memref_slice %arg6[%dma_wait3A_331, %dma_wait3A_332] : memref<1000000x32xf32, #tpu.memory_space<hbm>> -> memref<1000000x32xf32, #tpu.memory_space<hbm>>
      tpu.wait_indirect_dma semaphore(%arg20 : memref<!tpu.dma_semaphore, #tpu.memory_space<semaphore_mem>>) src(%dma_wait3A_333 : memref<1000000x32xf32, #tpu.memory_space<hbm>>) dst(%dma_wait3A_328 : memref<128x32xf32, #tpu.memory_space<vmem>>)
      %dma_wait3A_334 = arith.constant 1792 : i32
      %dma_wait3A_335 = arith.constant 0 : i32
      %dma_wait3A_336 = tpu.memref_slice %arg15[%dma_wait3A_334, %dma_wait3A_335] : memref<3200x32xf32, #tpu.memory_space<vmem>> -> memref<128x32xf32, #tpu.memory_space<vmem>>
      %dma_wait3A_337 = arith.constant 1792 : i32
      %dma_wait3A_338 = tpu.memref_slice %arg11[%dma_wait3A_337] : memref<3200xi32, #tpu.memory_space<vmem>> -> memref<128xi32, #tpu.memory_space<vmem>>
      %dma_wait3A_339 = arith.constant 0 : i32
      %dma_wait3A_340 = arith.constant 0 : i32
      %dma_wait3A_341 = tpu.memref_slice %arg6[%dma_wait3A_339, %dma_wait3A_340] : memref<1000000x32xf32, #tpu.memory_space<hbm>> -> memref<1000000x32xf32, #tpu.memory_space<hbm>>
      tpu.wait_indirect_dma semaphore(%arg20 : memref<!tpu.dma_semaphore, #tpu.memory_space<semaphore_mem>>) src(%dma_wait3A_341 : memref<1000000x32xf32, #tpu.memory_space<hbm>>) dst(%dma_wait3A_336 : memref<128x32xf32, #tpu.memory_space<vmem>>)
      %dma_wait3A_342 = arith.constant 1920 : i32
      %dma_wait3A_343 = arith.constant 0 : i32
      %dma_wait3A_344 = tpu.memref_slice %arg15[%dma_wait3A_342, %dma_wait3A_343] : memref<3200x32xf32, #tpu.memory_space<vmem>> -> memref<128x32xf32, #tpu.memory_space<vmem>>
      %dma_wait3A_345 = arith.constant 1920 : i32
      %dma_wait3A_346 = tpu.memref_slice %arg11[%dma_wait3A_345] : memref<3200xi32, #tpu.memory_space<vmem>> -> memref<128xi32, #tpu.memory_space<vmem>>
      %dma_wait3A_347 = arith.constant 0 : i32
      %dma_wait3A_348 = arith.constant 0 : i32
      %dma_wait3A_349 = tpu.memref_slice %arg6[%dma_wait3A_347, %dma_wait3A_348] : memref<1000000x32xf32, #tpu.memory_space<hbm>> -> memref<1000000x32xf32, #tpu.memory_space<hbm>>
      tpu.wait_indirect_dma semaphore(%arg20 : memref<!tpu.dma_semaphore, #tpu.memory_space<semaphore_mem>>) src(%dma_wait3A_349 : memref<1000000x32xf32, #tpu.memory_space<hbm>>) dst(%dma_wait3A_344 : memref<128x32xf32, #tpu.memory_space<vmem>>)
      %dma_wait3A_350 = arith.constant 2048 : i32
      %dma_wait3A_351 = arith.constant 0 : i32
      %dma_wait3A_352 = tpu.memref_slice %arg15[%dma_wait3A_350, %dma_wait3A_351] : memref<3200x32xf32, #tpu.memory_space<vmem>> -> memref<128x32xf32, #tpu.memory_space<vmem>>
      %dma_wait3A_353 = arith.constant 2048 : i32
      %dma_wait3A_354 = tpu.memref_slice %arg11[%dma_wait3A_353] : memref<3200xi32, #tpu.memory_space<vmem>> -> memref<128xi32, #tpu.memory_space<vmem>>
      %dma_wait3A_355 = arith.constant 0 : i32
      %dma_wait3A_356 = arith.constant 0 : i32
      %dma_wait3A_357 = tpu.memref_slice %arg6[%dma_wait3A_355, %dma_wait3A_356] : memref<1000000x32xf32, #tpu.memory_space<hbm>> -> memref<1000000x32xf32, #tpu.memory_space<hbm>>
      tpu.wait_indirect_dma semaphore(%arg20 : memref<!tpu.dma_semaphore, #tpu.memory_space<semaphore_mem>>) src(%dma_wait3A_357 : memref<1000000x32xf32, #tpu.memory_space<hbm>>) dst(%dma_wait3A_352 : memref<128x32xf32, #tpu.memory_space<vmem>>)
      %dma_wait3A_358 = arith.constant 2176 : i32
      %dma_wait3A_359 = arith.constant 0 : i32
      %dma_wait3A_360 = tpu.memref_slice %arg15[%dma_wait3A_358, %dma_wait3A_359] : memref<3200x32xf32, #tpu.memory_space<vmem>> -> memref<128x32xf32, #tpu.memory_space<vmem>>
      %dma_wait3A_361 = arith.constant 2176 : i32
      %dma_wait3A_362 = tpu.memref_slice %arg11[%dma_wait3A_361] : memref<3200xi32, #tpu.memory_space<vmem>> -> memref<128xi32, #tpu.memory_space<vmem>>
      %dma_wait3A_363 = arith.constant 0 : i32
      %dma_wait3A_364 = arith.constant 0 : i32
      %dma_wait3A_365 = tpu.memref_slice %arg6[%dma_wait3A_363, %dma_wait3A_364] : memref<1000000x32xf32, #tpu.memory_space<hbm>> -> memref<1000000x32xf32, #tpu.memory_space<hbm>>
      tpu.wait_indirect_dma semaphore(%arg20 : memref<!tpu.dma_semaphore, #tpu.memory_space<semaphore_mem>>) src(%dma_wait3A_365 : memref<1000000x32xf32, #tpu.memory_space<hbm>>) dst(%dma_wait3A_360 : memref<128x32xf32, #tpu.memory_space<vmem>>)
      %dma_wait3A_366 = arith.constant 2304 : i32
      %dma_wait3A_367 = arith.constant 0 : i32
      %dma_wait3A_368 = tpu.memref_slice %arg15[%dma_wait3A_366, %dma_wait3A_367] : memref<3200x32xf32, #tpu.memory_space<vmem>> -> memref<128x32xf32, #tpu.memory_space<vmem>>
      %dma_wait3A_369 = arith.constant 2304 : i32
      %dma_wait3A_370 = tpu.memref_slice %arg11[%dma_wait3A_369] : memref<3200xi32, #tpu.memory_space<vmem>> -> memref<128xi32, #tpu.memory_space<vmem>>
      %dma_wait3A_371 = arith.constant 0 : i32
      %dma_wait3A_372 = arith.constant 0 : i32
      %dma_wait3A_373 = tpu.memref_slice %arg6[%dma_wait3A_371, %dma_wait3A_372] : memref<1000000x32xf32, #tpu.memory_space<hbm>> -> memref<1000000x32xf32, #tpu.memory_space<hbm>>
      tpu.wait_indirect_dma semaphore(%arg20 : memref<!tpu.dma_semaphore, #tpu.memory_space<semaphore_mem>>) src(%dma_wait3A_373 : memref<1000000x32xf32, #tpu.memory_space<hbm>>) dst(%dma_wait3A_368 : memref<128x32xf32, #tpu.memory_space<vmem>>)
      %dma_wait3A_374 = arith.constant 2432 : i32
      %dma_wait3A_375 = arith.constant 0 : i32
      %dma_wait3A_376 = tpu.memref_slice %arg15[%dma_wait3A_374, %dma_wait3A_375] : memref<3200x32xf32, #tpu.memory_space<vmem>> -> memref<128x32xf32, #tpu.memory_space<vmem>>
      %dma_wait3A_377 = arith.constant 2432 : i32
      %dma_wait3A_378 = tpu.memref_slice %arg11[%dma_wait3A_377] : memref<3200xi32, #tpu.memory_space<vmem>> -> memref<128xi32, #tpu.memory_space<vmem>>
      %dma_wait3A_379 = arith.constant 0 : i32
      %dma_wait3A_380 = arith.constant 0 : i32
      %dma_wait3A_381 = tpu.memref_slice %arg6[%dma_wait3A_379, %dma_wait3A_380] : memref<1000000x32xf32, #tpu.memory_space<hbm>> -> memref<1000000x32xf32, #tpu.memory_space<hbm>>
      tpu.wait_indirect_dma semaphore(%arg20 : memref<!tpu.dma_semaphore, #tpu.memory_space<semaphore_mem>>) src(%dma_wait3A_381 : memref<1000000x32xf32, #tpu.memory_space<hbm>>) dst(%dma_wait3A_376 : memref<128x32xf32, #tpu.memory_space<vmem>>)
      %dma_wait3A_382 = arith.constant 2560 : i32
      %dma_wait3A_383 = arith.constant 0 : i32
      %dma_wait3A_384 = tpu.memref_slice %arg15[%dma_wait3A_382, %dma_wait3A_383] : memref<3200x32xf32, #tpu.memory_space<vmem>> -> memref<128x32xf32, #tpu.memory_space<vmem>>
      %dma_wait3A_385 = arith.constant 2560 : i32
      %dma_wait3A_386 = tpu.memref_slice %arg11[%dma_wait3A_385] : memref<3200xi32, #tpu.memory_space<vmem>> -> memref<128xi32, #tpu.memory_space<vmem>>
      %dma_wait3A_387 = arith.constant 0 : i32
      %dma_wait3A_388 = arith.constant 0 : i32
      %dma_wait3A_389 = tpu.memref_slice %arg6[%dma_wait3A_387, %dma_wait3A_388] : memref<1000000x32xf32, #tpu.memory_space<hbm>> -> memref<1000000x32xf32, #tpu.memory_space<hbm>>
      tpu.wait_indirect_dma semaphore(%arg20 : memref<!tpu.dma_semaphore, #tpu.memory_space<semaphore_mem>>) src(%dma_wait3A_389 : memref<1000000x32xf32, #tpu.memory_space<hbm>>) dst(%dma_wait3A_384 : memref<128x32xf32, #tpu.memory_space<vmem>>)
      %dma_wait3A_390 = arith.constant 2688 : i32
      %dma_wait3A_391 = arith.constant 0 : i32
      %dma_wait3A_392 = tpu.memref_slice %arg15[%dma_wait3A_390, %dma_wait3A_391] : memref<3200x32xf32, #tpu.memory_space<vmem>> -> memref<128x32xf32, #tpu.memory_space<vmem>>
      %dma_wait3A_393 = arith.constant 2688 : i32
      %dma_wait3A_394 = tpu.memref_slice %arg11[%dma_wait3A_393] : memref<3200xi32, #tpu.memory_space<vmem>> -> memref<128xi32, #tpu.memory_space<vmem>>
      %dma_wait3A_395 = arith.constant 0 : i32
      %dma_wait3A_396 = arith.constant 0 : i32
      %dma_wait3A_397 = tpu.memref_slice %arg6[%dma_wait3A_395, %dma_wait3A_396] : memref<1000000x32xf32, #tpu.memory_space<hbm>> -> memref<1000000x32xf32, #tpu.memory_space<hbm>>
      tpu.wait_indirect_dma semaphore(%arg20 : memref<!tpu.dma_semaphore, #tpu.memory_space<semaphore_mem>>) src(%dma_wait3A_397 : memref<1000000x32xf32, #tpu.memory_space<hbm>>) dst(%dma_wait3A_392 : memref<128x32xf32, #tpu.memory_space<vmem>>)
      %dma_wait3A_398 = arith.constant 2816 : i32
      %dma_wait3A_399 = arith.constant 0 : i32
      %dma_wait3A_400 = tpu.memref_slice %arg15[%dma_wait3A_398, %dma_wait3A_399] : memref<3200x32xf32, #tpu.memory_space<vmem>> -> memref<128x32xf32, #tpu.memory_space<vmem>>
      %dma_wait3A_401 = arith.constant 2816 : i32
      %dma_wait3A_402 = tpu.memref_slice %arg11[%dma_wait3A_401] : memref<3200xi32, #tpu.memory_space<vmem>> -> memref<128xi32, #tpu.memory_space<vmem>>
      %dma_wait3A_403 = arith.constant 0 : i32
      %dma_wait3A_404 = arith.constant 0 : i32
      %dma_wait3A_405 = tpu.memref_slice %arg6[%dma_wait3A_403, %dma_wait3A_404] : memref<1000000x32xf32, #tpu.memory_space<hbm>> -> memref<1000000x32xf32, #tpu.memory_space<hbm>>
      tpu.wait_indirect_dma semaphore(%arg20 : memref<!tpu.dma_semaphore, #tpu.memory_space<semaphore_mem>>) src(%dma_wait3A_405 : memref<1000000x32xf32, #tpu.memory_space<hbm>>) dst(%dma_wait3A_400 : memref<128x32xf32, #tpu.memory_space<vmem>>)
      %dma_wait3A_406 = arith.constant 2944 : i32
      %dma_wait3A_407 = arith.constant 0 : i32
      %dma_wait3A_408 = tpu.memref_slice %arg15[%dma_wait3A_406, %dma_wait3A_407] : memref<3200x32xf32, #tpu.memory_space<vmem>> -> memref<128x32xf32, #tpu.memory_space<vmem>>
      %dma_wait3A_409 = arith.constant 2944 : i32
      %dma_wait3A_410 = tpu.memref_slice %arg11[%dma_wait3A_409] : memref<3200xi32, #tpu.memory_space<vmem>> -> memref<128xi32, #tpu.memory_space<vmem>>
      %dma_wait3A_411 = arith.constant 0 : i32
      %dma_wait3A_412 = arith.constant 0 : i32
      %dma_wait3A_413 = tpu.memref_slice %arg6[%dma_wait3A_411, %dma_wait3A_412] : memref<1000000x32xf32, #tpu.memory_space<hbm>> -> memref<1000000x32xf32, #tpu.memory_space<hbm>>
      tpu.wait_indirect_dma semaphore(%arg20 : memref<!tpu.dma_semaphore, #tpu.memory_space<semaphore_mem>>) src(%dma_wait3A_413 : memref<1000000x32xf32, #tpu.memory_space<hbm>>) dst(%dma_wait3A_408 : memref<128x32xf32, #tpu.memory_space<vmem>>)
      %dma_wait3A_414 = arith.constant 3072 : i32
      %dma_wait3A_415 = arith.constant 0 : i32
      %dma_wait3A_416 = tpu.memref_slice %arg15[%dma_wait3A_414, %dma_wait3A_415] : memref<3200x32xf32, #tpu.memory_space<vmem>> -> memref<128x32xf32, #tpu.memory_space<vmem>>
      %dma_wait3A_417 = arith.constant 3072 : i32
      %dma_wait3A_418 = tpu.memref_slice %arg11[%dma_wait3A_417] : memref<3200xi32, #tpu.memory_space<vmem>> -> memref<128xi32, #tpu.memory_space<vmem>>
      %dma_wait3A_419 = arith.constant 0 : i32
      %dma_wait3A_420 = arith.constant 0 : i32
      %dma_wait3A_421 = tpu.memref_slice %arg6[%dma_wait3A_419, %dma_wait3A_420] : memref<1000000x32xf32, #tpu.memory_space<hbm>> -> memref<1000000x32xf32, #tpu.memory_space<hbm>>
      tpu.wait_indirect_dma semaphore(%arg20 : memref<!tpu.dma_semaphore, #tpu.memory_space<semaphore_mem>>) src(%dma_wait3A_421 : memref<1000000x32xf32, #tpu.memory_space<hbm>>) dst(%dma_wait3A_416 : memref<128x32xf32, #tpu.memory_space<vmem>>)
      %dma_wait3A_422 = arith.constant 0 : i32
      %dma_wait3A_423 = arith.constant 0 : i32
      %dma_wait3A_424 = tpu.memref_slice %arg7[%dma_wait3A_422, %dma_wait3A_423] : memref<1000000x32xf32, #tpu.memory_space<hbm>> -> memref<1000000x32xf32, #tpu.memory_space<hbm>>
      tpu.wait_indirect_dma semaphore(%arg20 : memref<!tpu.dma_semaphore, #tpu.memory_space<semaphore_mem>>) src(%dma_wait3A_424 : memref<1000000x32xf32, #tpu.memory_space<hbm>>) dst(%arg16 : memref<64x32xf32, #tpu.memory_space<vmem>>)
      %dma_wait3A_425 = arith.constant 0 : i32
      %dma_wait3A_426 = arith.constant 0 : i32
      %dma_wait3A_427 = tpu.memref_slice %arg8[%dma_wait3A_425, %dma_wait3A_426] : memref<1000000x32xf32, #tpu.memory_space<hbm>> -> memref<1000000x32xf32, #tpu.memory_space<hbm>>
      tpu.wait_indirect_dma semaphore(%arg20 : memref<!tpu.dma_semaphore, #tpu.memory_space<semaphore_mem>>) src(%dma_wait3A_427 : memref<1000000x32xf32, #tpu.memory_space<hbm>>) dst(%arg17 : memref<64x32xf32, #tpu.memory_space<vmem>>)
      %dma_wait3A_428 = arith.constant 0 : i32
      %dma_wait3A_429 = arith.constant 0 : i32
      %dma_wait3A_430 = tpu.memref_slice %arg9[%dma_wait3A_428, %dma_wait3A_429] : memref<100000x32xf32, #tpu.memory_space<hbm>> -> memref<100000x32xf32, #tpu.memory_space<hbm>>
      tpu.wait_indirect_dma semaphore(%arg20 : memref<!tpu.dma_semaphore, #tpu.memory_space<semaphore_mem>>) src(%dma_wait3A_430 : memref<100000x32xf32, #tpu.memory_space<hbm>>) dst(%arg18 : memref<64x32xf32, #tpu.memory_space<vmem>>)
      %scan3A_431 = arith.constant 0 : i32
      %scan3A_432 = arith.constant 0 : i32
      %scan3A_433 = arith.constant 64 : i32
      %scan3A_434 = arith.addi %scan3A_432, %scan3A_433 : i32
      %scan3A_435 = arith.constant 1 : i32
      scf.for %scan3A_437 = %scan3A_432 to %scan3A_434 step %scan3A_435  : i32 {
        %mul3A_438 = arith.constant 50 : i32
        %mul3A_439 = arith.muli %scan3A_437, %mul3A_438 : i32
        %broadcast_in_dim3A = arith.constant 0.000000e+00 : f32
        %broadcast_in_dim3A_440 = vector.broadcast %broadcast_in_dim3A : f32 to vector<16xf32>
        %broadcast_in_dim3A_441 = arith.constant 0.000000e+00 : f32
        %broadcast_in_dim3A_442 = vector.broadcast %broadcast_in_dim3A_441 : f32 to vector<16xf32>
        %broadcast_in_dim3A_443 = arith.constant 0.000000e+00 : f32
        %broadcast_in_dim3A_444 = vector.broadcast %broadcast_in_dim3A_443 : f32 to vector<16xf32>
        %broadcast_in_dim3A_445 = arith.constant 0.000000e+00 : f32
        %broadcast_in_dim3A_446 = vector.broadcast %broadcast_in_dim3A_445 : f32 to vector<16xf32>
        %add3A_447 = arith.constant 0 : i32
        %add3A_448 = arith.addi %mul3A_439, %add3A_447 : i32
        %get3A = arith.index_cast %add3A_448 : i32 to index
        %get3A_449 = arith.constant 0 : index
        %get3A_450 = tpu.vector_load %arg15[%get3A, %get3A_449] {strides = array<i32>} : memref<3200x32xf32, #tpu.memory_space<vmem>>, vector<1x16xf32>,
        %get3A_451 = vector.shape_cast %get3A_450 : vector<1x16xf32> to vector<16xf32>
        %add3A_452 = arith.addf %broadcast_in_dim3A_440, %get3A_451 : vector<16xf32>
        %add3A_453 = arith.constant 0 : i32
        %add3A_454 = arith.addi %mul3A_439, %add3A_453 : i32
        %get3A_455 = arith.index_cast %add3A_454 : i32 to index
        %get3A_456 = arith.constant 16 : index
        %get3A_457 = tpu.vector_load %arg15[%get3A_455, %get3A_456] {strides = array<i32>} : memref<3200x32xf32, #tpu.memory_space<vmem>>, vector<1x16xf32>,
        %get3A_458 = vector.shape_cast %get3A_457 : vector<1x16xf32> to vector<16xf32>
        %add3A_459 = arith.addf %broadcast_in_dim3A_442, %get3A_458 : vector<16xf32>
        %add3A_460 = arith.constant 0 : i32
        %add3A_461 = arith.addi %mul3A_439, %add3A_460 : i32
        %add3A_462 = arith.constant 1 : i32
        %add3A_463 = arith.addi %add3A_461, %add3A_462 : i32
        %get3A_464 = arith.index_cast %add3A_463 : i32 to index
        %get3A_465 = arith.constant 0 : index
        %get3A_466 = tpu.vector_load %arg15[%get3A_464, %get3A_465] {strides = array<i32>} : memref<3200x32xf32, #tpu.memory_space<vmem>>, vector<1x16xf32>,
        %get3A_467 = vector.shape_cast %get3A_466 : vector<1x16xf32> to vector<16xf32>
        %add3A_468 = arith.addf %broadcast_in_dim3A_444, %get3A_467 : vector<16xf32>
        %add3A_469 = arith.constant 0 : i32
        %add3A_470 = arith.addi %mul3A_439, %add3A_469 : i32
        %add3A_471 = arith.constant 1 : i32
        %add3A_472 = arith.addi %add3A_470, %add3A_471 : i32
        %get3A_473 = arith.index_cast %add3A_472 : i32 to index
        %get3A_474 = arith.constant 16 : index
        %get3A_475 = tpu.vector_load %arg15[%get3A_473, %get3A_474] {strides = array<i32>} : memref<3200x32xf32, #tpu.memory_space<vmem>>, vector<1x16xf32>,
        %get3A_476 = vector.shape_cast %get3A_475 : vector<1x16xf32> to vector<16xf32>
        %add3A_477 = arith.addf %broadcast_in_dim3A_446, %get3A_476 : vector<16xf32>
        %add3A_478 = arith.constant 2 : i32
        %add3A_479 = arith.addi %mul3A_439, %add3A_478 : i32
        %get3A_480 = arith.index_cast %add3A_479 : i32 to index
        %get3A_481 = arith.constant 0 : index
        %get3A_482 = tpu.vector_load %arg15[%get3A_480, %get3A_481] {strides = array<i32>} : memref<3200x32xf32, #tpu.memory_space<vmem>>, vector<1x16xf32>,
        %get3A_483 = vector.shape_cast %get3A_482 : vector<1x16xf32> to vector<16xf32>
        %add3A_484 = arith.addf %add3A_452, %get3A_483 : vector<16xf32>
        %add3A_485 = arith.constant 2 : i32
        %add3A_486 = arith.addi %mul3A_439, %add3A_485 : i32
        %get3A_487 = arith.index_cast %add3A_486 : i32 to index
        %get3A_488 = arith.constant 16 : index
        %get3A_489 = tpu.vector_load %arg15[%get3A_487, %get3A_488] {strides = array<i32>} : memref<3200x32xf32, #tpu.memory_space<vmem>>, vector<1x16xf32>,
        %get3A_490 = vector.shape_cast %get3A_489 : vector<1x16xf32> to vector<16xf32>
        %add3A_491 = arith.addf %add3A_459, %get3A_490 : vector<16xf32>
        %add3A_492 = arith.constant 2 : i32
        %add3A_493 = arith.addi %mul3A_439, %add3A_492 : i32
        %add3A_494 = arith.constant 1 : i32
        %add3A_495 = arith.addi %add3A_493, %add3A_494 : i32
        %get3A_496 = arith.index_cast %add3A_495 : i32 to index
        %get3A_497 = arith.constant 0 : index
        %get3A_498 = tpu.vector_load %arg15[%get3A_496, %get3A_497] {strides = array<i32>} : memref<3200x32xf32, #tpu.memory_space<vmem>>, vector<1x16xf32>,
        %get3A_499 = vector.shape_cast %get3A_498 : vector<1x16xf32> to vector<16xf32>
        %add3A_500 = arith.addf %add3A_468, %get3A_499 : vector<16xf32>
        %add3A_501 = arith.constant 2 : i32
        %add3A_502 = arith.addi %mul3A_439, %add3A_501 : i32
        %add3A_503 = arith.constant 1 : i32
        %add3A_504 = arith.addi %add3A_502, %add3A_503 : i32
        %get3A_505 = arith.index_cast %add3A_504 : i32 to index
        %get3A_506 = arith.constant 16 : index
        %get3A_507 = tpu.vector_load %arg15[%get3A_505, %get3A_506] {strides = array<i32>} : memref<3200x32xf32, #tpu.memory_space<vmem>>, vector<1x16xf32>,
        %get3A_508 = vector.shape_cast %get3A_507 : vector<1x16xf32> to vector<16xf32>
        %add3A_509 = arith.addf %add3A_477, %get3A_508 : vector<16xf32>
        %add3A_510 = arith.constant 4 : i32
        %add3A_511 = arith.addi %mul3A_439, %add3A_510 : i32
        %get3A_512 = arith.index_cast %add3A_511 : i32 to index
        %get3A_513 = arith.constant 0 : index
        %get3A_514 = tpu.vector_load %arg15[%get3A_512, %get3A_513] {strides = array<i32>} : memref<3200x32xf32, #tpu.memory_space<vmem>>, vector<1x16xf32>,
        %get3A_515 = vector.shape_cast %get3A_514 : vector<1x16xf32> to vector<16xf32>
        %add3A_516 = arith.addf %add3A_484, %get3A_515 : vector<16xf32>
        %add3A_517 = arith.constant 4 : i32
        %add3A_518 = arith.addi %mul3A_439, %add3A_517 : i32
        %get3A_519 = arith.index_cast %add3A_518 : i32 to index
        %get3A_520 = arith.constant 16 : index
        %get3A_521 = tpu.vector_load %arg15[%get3A_519, %get3A_520] {strides = array<i32>} : memref<3200x32xf32, #tpu.memory_space<vmem>>, vector<1x16xf32>,
        %get3A_522 = vector.shape_cast %get3A_521 : vector<1x16xf32> to vector<16xf32>
        %add3A_523 = arith.addf %add3A_491, %get3A_522 : vector<16xf32>
        %add3A_524 = arith.constant 4 : i32
        %add3A_525 = arith.addi %mul3A_439, %add3A_524 : i32
        %add3A_526 = arith.constant 1 : i32
        %add3A_527 = arith.addi %add3A_525, %add3A_526 : i32
        %get3A_528 = arith.index_cast %add3A_527 : i32 to index
        %get3A_529 = arith.constant 0 : index
        %get3A_530 = tpu.vector_load %arg15[%get3A_528, %get3A_529] {strides = array<i32>} : memref<3200x32xf32, #tpu.memory_space<vmem>>, vector<1x16xf32>,
        %get3A_531 = vector.shape_cast %get3A_530 : vector<1x16xf32> to vector<16xf32>
        %add3A_532 = arith.addf %add3A_500, %get3A_531 : vector<16xf32>
        %add3A_533 = arith.constant 4 : i32
        %add3A_534 = arith.addi %mul3A_439, %add3A_533 : i32
        %add3A_535 = arith.constant 1 : i32
        %add3A_536 = arith.addi %add3A_534, %add3A_535 : i32
        %get3A_537 = arith.index_cast %add3A_536 : i32 to index
        %get3A_538 = arith.constant 16 : index
        %get3A_539 = tpu.vector_load %arg15[%get3A_537, %get3A_538] {strides = array<i32>} : memref<3200x32xf32, #tpu.memory_space<vmem>>, vector<1x16xf32>,
        %get3A_540 = vector.shape_cast %get3A_539 : vector<1x16xf32> to vector<16xf32>
        %add3A_541 = arith.addf %add3A_509, %get3A_540 : vector<16xf32>
        %add3A_542 = arith.constant 6 : i32
        %add3A_543 = arith.addi %mul3A_439, %add3A_542 : i32
        %get3A_544 = arith.index_cast %add3A_543 : i32 to index
        %get3A_545 = arith.constant 0 : index
        %get3A_546 = tpu.vector_load %arg15[%get3A_544, %get3A_545] {strides = array<i32>} : memref<3200x32xf32, #tpu.memory_space<vmem>>, vector<1x16xf32>,
        %get3A_547 = vector.shape_cast %get3A_546 : vector<1x16xf32> to vector<16xf32>
        %add3A_548 = arith.addf %add3A_516, %get3A_547 : vector<16xf32>
        %add3A_549 = arith.constant 6 : i32
        %add3A_550 = arith.addi %mul3A_439, %add3A_549 : i32
        %get3A_551 = arith.index_cast %add3A_550 : i32 to index
        %get3A_552 = arith.constant 16 : index
        %get3A_553 = tpu.vector_load %arg15[%get3A_551, %get3A_552] {strides = array<i32>} : memref<3200x32xf32, #tpu.memory_space<vmem>>, vector<1x16xf32>,
        %get3A_554 = vector.shape_cast %get3A_553 : vector<1x16xf32> to vector<16xf32>
        %add3A_555 = arith.addf %add3A_523, %get3A_554 : vector<16xf32>
        %add3A_556 = arith.constant 6 : i32
        %add3A_557 = arith.addi %mul3A_439, %add3A_556 : i32
        %add3A_558 = arith.constant 1 : i32
        %add3A_559 = arith.addi %add3A_557, %add3A_558 : i32
        %get3A_560 = arith.index_cast %add3A_559 : i32 to index
        %get3A_561 = arith.constant 0 : index
        %get3A_562 = tpu.vector_load %arg15[%get3A_560, %get3A_561] {strides = array<i32>} : memref<3200x32xf32, #tpu.memory_space<vmem>>, vector<1x16xf32>,
        %get3A_563 = vector.shape_cast %get3A_562 : vector<1x16xf32> to vector<16xf32>
        %add3A_564 = arith.addf %add3A_532, %get3A_563 : vector<16xf32>
        %add3A_565 = arith.constant 6 : i32
        %add3A_566 = arith.addi %mul3A_439, %add3A_565 : i32
        %add3A_567 = arith.constant 1 : i32
        %add3A_568 = arith.addi %add3A_566, %add3A_567 : i32
        %get3A_569 = arith.index_cast %add3A_568 : i32 to index
        %get3A_570 = arith.constant 16 : index
        %get3A_571 = tpu.vector_load %arg15[%get3A_569, %get3A_570] {strides = array<i32>} : memref<3200x32xf32, #tpu.memory_space<vmem>>, vector<1x16xf32>,
        %get3A_572 = vector.shape_cast %get3A_571 : vector<1x16xf32> to vector<16xf32>
        %add3A_573 = arith.addf %add3A_541, %get3A_572 : vector<16xf32>
        %add3A_574 = arith.constant 8 : i32
        %add3A_575 = arith.addi %mul3A_439, %add3A_574 : i32
        %get3A_576 = arith.index_cast %add3A_575 : i32 to index
        %get3A_577 = arith.constant 0 : index
        %get3A_578 = tpu.vector_load %arg15[%get3A_576, %get3A_577] {strides = array<i32>} : memref<3200x32xf32, #tpu.memory_space<vmem>>, vector<1x16xf32>,
        %get3A_579 = vector.shape_cast %get3A_578 : vector<1x16xf32> to vector<16xf32>
        %add3A_580 = arith.addf %add3A_548, %get3A_579 : vector<16xf32>
        %add3A_581 = arith.constant 8 : i32
        %add3A_582 = arith.addi %mul3A_439, %add3A_581 : i32
        %get3A_583 = arith.index_cast %add3A_582 : i32 to index
        %get3A_584 = arith.constant 16 : index
        %get3A_585 = tpu.vector_load %arg15[%get3A_583, %get3A_584] {strides = array<i32>} : memref<3200x32xf32, #tpu.memory_space<vmem>>, vector<1x16xf32>,
        %get3A_586 = vector.shape_cast %get3A_585 : vector<1x16xf32> to vector<16xf32>
        %add3A_587 = arith.addf %add3A_555, %get3A_586 : vector<16xf32>
        %add3A_588 = arith.constant 8 : i32
        %add3A_589 = arith.addi %mul3A_439, %add3A_588 : i32
        %add3A_590 = arith.constant 1 : i32
        %add3A_591 = arith.addi %add3A_589, %add3A_590 : i32
        %get3A_592 = arith.index_cast %add3A_591 : i32 to index
        %get3A_593 = arith.constant 0 : index
        %get3A_594 = tpu.vector_load %arg15[%get3A_592, %get3A_593] {strides = array<i32>} : memref<3200x32xf32, #tpu.memory_space<vmem>>, vector<1x16xf32>,
        %get3A_595 = vector.shape_cast %get3A_594 : vector<1x16xf32> to vector<16xf32>
        %add3A_596 = arith.addf %add3A_564, %get3A_595 : vector<16xf32>
        %add3A_597 = arith.constant 8 : i32
        %add3A_598 = arith.addi %mul3A_439, %add3A_597 : i32
        %add3A_599 = arith.constant 1 : i32
        %add3A_600 = arith.addi %add3A_598, %add3A_599 : i32
        %get3A_601 = arith.index_cast %add3A_600 : i32 to index
        %get3A_602 = arith.constant 16 : index
        %get3A_603 = tpu.vector_load %arg15[%get3A_601, %get3A_602] {strides = array<i32>} : memref<3200x32xf32, #tpu.memory_space<vmem>>, vector<1x16xf32>,
        %get3A_604 = vector.shape_cast %get3A_603 : vector<1x16xf32> to vector<16xf32>
        %add3A_605 = arith.addf %add3A_573, %get3A_604 : vector<16xf32>
        %add3A_606 = arith.constant 10 : i32
        %add3A_607 = arith.addi %mul3A_439, %add3A_606 : i32
        %get3A_608 = arith.index_cast %add3A_607 : i32 to index
        %get3A_609 = arith.constant 0 : index
        %get3A_610 = tpu.vector_load %arg15[%get3A_608, %get3A_609] {strides = array<i32>} : memref<3200x32xf32, #tpu.memory_space<vmem>>, vector<1x16xf32>,
        %get3A_611 = vector.shape_cast %get3A_610 : vector<1x16xf32> to vector<16xf32>
        %add3A_612 = arith.addf %add3A_580, %get3A_611 : vector<16xf32>
        %add3A_613 = arith.constant 10 : i32
        %add3A_614 = arith.addi %mul3A_439, %add3A_613 : i32
        %get3A_615 = arith.index_cast %add3A_614 : i32 to index
        %get3A_616 = arith.constant 16 : index
        %get3A_617 = tpu.vector_load %arg15[%get3A_615, %get3A_616] {strides = array<i32>} : memref<3200x32xf32, #tpu.memory_space<vmem>>, vector<1x16xf32>,
        %get3A_618 = vector.shape_cast %get3A_617 : vector<1x16xf32> to vector<16xf32>
        %add3A_619 = arith.addf %add3A_587, %get3A_618 : vector<16xf32>
        %add3A_620 = arith.constant 10 : i32
        %add3A_621 = arith.addi %mul3A_439, %add3A_620 : i32
        %add3A_622 = arith.constant 1 : i32
        %add3A_623 = arith.addi %add3A_621, %add3A_622 : i32
        %get3A_624 = arith.index_cast %add3A_623 : i32 to index
        %get3A_625 = arith.constant 0 : index
        %get3A_626 = tpu.vector_load %arg15[%get3A_624, %get3A_625] {strides = array<i32>} : memref<3200x32xf32, #tpu.memory_space<vmem>>, vector<1x16xf32>,
        %get3A_627 = vector.shape_cast %get3A_626 : vector<1x16xf32> to vector<16xf32>
        %add3A_628 = arith.addf %add3A_596, %get3A_627 : vector<16xf32>
        %add3A_629 = arith.constant 10 : i32
        %add3A_630 = arith.addi %mul3A_439, %add3A_629 : i32
        %add3A_631 = arith.constant 1 : i32
        %add3A_632 = arith.addi %add3A_630, %add3A_631 : i32
        %get3A_633 = arith.index_cast %add3A_632 : i32 to index
        %get3A_634 = arith.constant 16 : index
        %get3A_635 = tpu.vector_load %arg15[%get3A_633, %get3A_634] {strides = array<i32>} : memref<3200x32xf32, #tpu.memory_space<vmem>>, vector<1x16xf32>,
        %get3A_636 = vector.shape_cast %get3A_635 : vector<1x16xf32> to vector<16xf32>
        %add3A_637 = arith.addf %add3A_605, %get3A_636 : vector<16xf32>
        %add3A_638 = arith.constant 12 : i32
        %add3A_639 = arith.addi %mul3A_439, %add3A_638 : i32
        %get3A_640 = arith.index_cast %add3A_639 : i32 to index
        %get3A_641 = arith.constant 0 : index
        %get3A_642 = tpu.vector_load %arg15[%get3A_640, %get3A_641] {strides = array<i32>} : memref<3200x32xf32, #tpu.memory_space<vmem>>, vector<1x16xf32>,
        %get3A_643 = vector.shape_cast %get3A_642 : vector<1x16xf32> to vector<16xf32>
        %add3A_644 = arith.addf %add3A_612, %get3A_643 : vector<16xf32>
        %add3A_645 = arith.constant 12 : i32
        %add3A_646 = arith.addi %mul3A_439, %add3A_645 : i32
        %get3A_647 = arith.index_cast %add3A_646 : i32 to index
        %get3A_648 = arith.constant 16 : index
        %get3A_649 = tpu.vector_load %arg15[%get3A_647, %get3A_648] {strides = array<i32>} : memref<3200x32xf32, #tpu.memory_space<vmem>>, vector<1x16xf32>,
        %get3A_650 = vector.shape_cast %get3A_649 : vector<1x16xf32> to vector<16xf32>
        %add3A_651 = arith.addf %add3A_619, %get3A_650 : vector<16xf32>
        %add3A_652 = arith.constant 12 : i32
        %add3A_653 = arith.addi %mul3A_439, %add3A_652 : i32
        %add3A_654 = arith.constant 1 : i32
        %add3A_655 = arith.addi %add3A_653, %add3A_654 : i32
        %get3A_656 = arith.index_cast %add3A_655 : i32 to index
        %get3A_657 = arith.constant 0 : index
        %get3A_658 = tpu.vector_load %arg15[%get3A_656, %get3A_657] {strides = array<i32>} : memref<3200x32xf32, #tpu.memory_space<vmem>>, vector<1x16xf32>,
        %get3A_659 = vector.shape_cast %get3A_658 : vector<1x16xf32> to vector<16xf32>
        %add3A_660 = arith.addf %add3A_628, %get3A_659 : vector<16xf32>
        %add3A_661 = arith.constant 12 : i32
        %add3A_662 = arith.addi %mul3A_439, %add3A_661 : i32
        %add3A_663 = arith.constant 1 : i32
        %add3A_664 = arith.addi %add3A_662, %add3A_663 : i32
        %get3A_665 = arith.index_cast %add3A_664 : i32 to index
        %get3A_666 = arith.constant 16 : index
        %get3A_667 = tpu.vector_load %arg15[%get3A_665, %get3A_666] {strides = array<i32>} : memref<3200x32xf32, #tpu.memory_space<vmem>>, vector<1x16xf32>,
        %get3A_668 = vector.shape_cast %get3A_667 : vector<1x16xf32> to vector<16xf32>
        %add3A_669 = arith.addf %add3A_637, %get3A_668 : vector<16xf32>
        %add3A_670 = arith.constant 14 : i32
        %add3A_671 = arith.addi %mul3A_439, %add3A_670 : i32
        %get3A_672 = arith.index_cast %add3A_671 : i32 to index
        %get3A_673 = arith.constant 0 : index
        %get3A_674 = tpu.vector_load %arg15[%get3A_672, %get3A_673] {strides = array<i32>} : memref<3200x32xf32, #tpu.memory_space<vmem>>, vector<1x16xf32>,
        %get3A_675 = vector.shape_cast %get3A_674 : vector<1x16xf32> to vector<16xf32>
        %add3A_676 = arith.addf %add3A_644, %get3A_675 : vector<16xf32>
        %add3A_677 = arith.constant 14 : i32
        %add3A_678 = arith.addi %mul3A_439, %add3A_677 : i32
        %get3A_679 = arith.index_cast %add3A_678 : i32 to index
        %get3A_680 = arith.constant 16 : index
        %get3A_681 = tpu.vector_load %arg15[%get3A_679, %get3A_680] {strides = array<i32>} : memref<3200x32xf32, #tpu.memory_space<vmem>>, vector<1x16xf32>,
        %get3A_682 = vector.shape_cast %get3A_681 : vector<1x16xf32> to vector<16xf32>
        %add3A_683 = arith.addf %add3A_651, %get3A_682 : vector<16xf32>
        %add3A_684 = arith.constant 14 : i32
        %add3A_685 = arith.addi %mul3A_439, %add3A_684 : i32
        %add3A_686 = arith.constant 1 : i32
        %add3A_687 = arith.addi %add3A_685, %add3A_686 : i32
        %get3A_688 = arith.index_cast %add3A_687 : i32 to index
        %get3A_689 = arith.constant 0 : index
        %get3A_690 = tpu.vector_load %arg15[%get3A_688, %get3A_689] {strides = array<i32>} : memref<3200x32xf32, #tpu.memory_space<vmem>>, vector<1x16xf32>,
        %get3A_691 = vector.shape_cast %get3A_690 : vector<1x16xf32> to vector<16xf32>
        %add3A_692 = arith.addf %add3A_660, %get3A_691 : vector<16xf32>
        %add3A_693 = arith.constant 14 : i32
        %add3A_694 = arith.addi %mul3A_439, %add3A_693 : i32
        %add3A_695 = arith.constant 1 : i32
        %add3A_696 = arith.addi %add3A_694, %add3A_695 : i32
        %get3A_697 = arith.index_cast %add3A_696 : i32 to index
        %get3A_698 = arith.constant 16 : index
        %get3A_699 = tpu.vector_load %arg15[%get3A_697, %get3A_698] {strides = array<i32>} : memref<3200x32xf32, #tpu.memory_space<vmem>>, vector<1x16xf32>,
        %get3A_700 = vector.shape_cast %get3A_699 : vector<1x16xf32> to vector<16xf32>
        %add3A_701 = arith.addf %add3A_669, %get3A_700 : vector<16xf32>
        %add3A_702 = arith.constant 16 : i32
        %add3A_703 = arith.addi %mul3A_439, %add3A_702 : i32
        %get3A_704 = arith.index_cast %add3A_703 : i32 to index
        %get3A_705 = arith.constant 0 : index
        %get3A_706 = tpu.vector_load %arg15[%get3A_704, %get3A_705] {strides = array<i32>} : memref<3200x32xf32, #tpu.memory_space<vmem>>, vector<1x16xf32>,
        %get3A_707 = vector.shape_cast %get3A_706 : vector<1x16xf32> to vector<16xf32>
        %add3A_708 = arith.addf %add3A_676, %get3A_707 : vector<16xf32>
        %add3A_709 = arith.constant 16 : i32
        %add3A_710 = arith.addi %mul3A_439, %add3A_709 : i32
        %get3A_711 = arith.index_cast %add3A_710 : i32 to index
        %get3A_712 = arith.constant 16 : index
        %get3A_713 = tpu.vector_load %arg15[%get3A_711, %get3A_712] {strides = array<i32>} : memref<3200x32xf32, #tpu.memory_space<vmem>>, vector<1x16xf32>,
        %get3A_714 = vector.shape_cast %get3A_713 : vector<1x16xf32> to vector<16xf32>
        %add3A_715 = arith.addf %add3A_683, %get3A_714 : vector<16xf32>
        %add3A_716 = arith.constant 16 : i32
        %add3A_717 = arith.addi %mul3A_439, %add3A_716 : i32
        %add3A_718 = arith.constant 1 : i32
        %add3A_719 = arith.addi %add3A_717, %add3A_718 : i32
        %get3A_720 = arith.index_cast %add3A_719 : i32 to index
        %get3A_721 = arith.constant 0 : index
        %get3A_722 = tpu.vector_load %arg15[%get3A_720, %get3A_721] {strides = array<i32>} : memref<3200x32xf32, #tpu.memory_space<vmem>>, vector<1x16xf32>,
        %get3A_723 = vector.shape_cast %get3A_722 : vector<1x16xf32> to vector<16xf32>
        %add3A_724 = arith.addf %add3A_692, %get3A_723 : vector<16xf32>
        %add3A_725 = arith.constant 16 : i32
        %add3A_726 = arith.addi %mul3A_439, %add3A_725 : i32
        %add3A_727 = arith.constant 1 : i32
        %add3A_728 = arith.addi %add3A_726, %add3A_727 : i32
        %get3A_729 = arith.index_cast %add3A_728 : i32 to index
        %get3A_730 = arith.constant 16 : index
        %get3A_731 = tpu.vector_load %arg15[%get3A_729, %get3A_730] {strides = array<i32>} : memref<3200x32xf32, #tpu.memory_space<vmem>>, vector<1x16xf32>,
        %get3A_732 = vector.shape_cast %get3A_731 : vector<1x16xf32> to vector<16xf32>
        %add3A_733 = arith.addf %add3A_701, %get3A_732 : vector<16xf32>
        %add3A_734 = arith.constant 18 : i32
        %add3A_735 = arith.addi %mul3A_439, %add3A_734 : i32
        %get3A_736 = arith.index_cast %add3A_735 : i32 to index
        %get3A_737 = arith.constant 0 : index
        %get3A_738 = tpu.vector_load %arg15[%get3A_736, %get3A_737] {strides = array<i32>} : memref<3200x32xf32, #tpu.memory_space<vmem>>, vector<1x16xf32>,
        %get3A_739 = vector.shape_cast %get3A_738 : vector<1x16xf32> to vector<16xf32>
        %add3A_740 = arith.addf %add3A_708, %get3A_739 : vector<16xf32>
        %add3A_741 = arith.constant 18 : i32
        %add3A_742 = arith.addi %mul3A_439, %add3A_741 : i32
        %get3A_743 = arith.index_cast %add3A_742 : i32 to index
        %get3A_744 = arith.constant 16 : index
        %get3A_745 = tpu.vector_load %arg15[%get3A_743, %get3A_744] {strides = array<i32>} : memref<3200x32xf32, #tpu.memory_space<vmem>>, vector<1x16xf32>,
        %get3A_746 = vector.shape_cast %get3A_745 : vector<1x16xf32> to vector<16xf32>
        %add3A_747 = arith.addf %add3A_715, %get3A_746 : vector<16xf32>
        %add3A_748 = arith.constant 18 : i32
        %add3A_749 = arith.addi %mul3A_439, %add3A_748 : i32
        %add3A_750 = arith.constant 1 : i32
        %add3A_751 = arith.addi %add3A_749, %add3A_750 : i32
        %get3A_752 = arith.index_cast %add3A_751 : i32 to index
        %get3A_753 = arith.constant 0 : index
        %get3A_754 = tpu.vector_load %arg15[%get3A_752, %get3A_753] {strides = array<i32>} : memref<3200x32xf32, #tpu.memory_space<vmem>>, vector<1x16xf32>,
        %get3A_755 = vector.shape_cast %get3A_754 : vector<1x16xf32> to vector<16xf32>
        %add3A_756 = arith.addf %add3A_724, %get3A_755 : vector<16xf32>
        %add3A_757 = arith.constant 18 : i32
        %add3A_758 = arith.addi %mul3A_439, %add3A_757 : i32
        %add3A_759 = arith.constant 1 : i32
        %add3A_760 = arith.addi %add3A_758, %add3A_759 : i32
        %get3A_761 = arith.index_cast %add3A_760 : i32 to index
        %get3A_762 = arith.constant 16 : index
        %get3A_763 = tpu.vector_load %arg15[%get3A_761, %get3A_762] {strides = array<i32>} : memref<3200x32xf32, #tpu.memory_space<vmem>>, vector<1x16xf32>,
        %get3A_764 = vector.shape_cast %get3A_763 : vector<1x16xf32> to vector<16xf32>
        %add3A_765 = arith.addf %add3A_733, %get3A_764 : vector<16xf32>
        %add3A_766 = arith.constant 20 : i32
        %add3A_767 = arith.addi %mul3A_439, %add3A_766 : i32
        %get3A_768 = arith.index_cast %add3A_767 : i32 to index
        %get3A_769 = arith.constant 0 : index
        %get3A_770 = tpu.vector_load %arg15[%get3A_768, %get3A_769] {strides = array<i32>} : memref<3200x32xf32, #tpu.memory_space<vmem>>, vector<1x16xf32>,
        %get3A_771 = vector.shape_cast %get3A_770 : vector<1x16xf32> to vector<16xf32>
        %add3A_772 = arith.addf %add3A_740, %get3A_771 : vector<16xf32>
        %add3A_773 = arith.constant 20 : i32
        %add3A_774 = arith.addi %mul3A_439, %add3A_773 : i32
        %get3A_775 = arith.index_cast %add3A_774 : i32 to index
        %get3A_776 = arith.constant 16 : index
        %get3A_777 = tpu.vector_load %arg15[%get3A_775, %get3A_776] {strides = array<i32>} : memref<3200x32xf32, #tpu.memory_space<vmem>>, vector<1x16xf32>,
        %get3A_778 = vector.shape_cast %get3A_777 : vector<1x16xf32> to vector<16xf32>
        %add3A_779 = arith.addf %add3A_747, %get3A_778 : vector<16xf32>
        %add3A_780 = arith.constant 20 : i32
        %add3A_781 = arith.addi %mul3A_439, %add3A_780 : i32
        %add3A_782 = arith.constant 1 : i32
        %add3A_783 = arith.addi %add3A_781, %add3A_782 : i32
        %get3A_784 = arith.index_cast %add3A_783 : i32 to index
        %get3A_785 = arith.constant 0 : index
        %get3A_786 = tpu.vector_load %arg15[%get3A_784, %get3A_785] {strides = array<i32>} : memref<3200x32xf32, #tpu.memory_space<vmem>>, vector<1x16xf32>,
        %get3A_787 = vector.shape_cast %get3A_786 : vector<1x16xf32> to vector<16xf32>
        %add3A_788 = arith.addf %add3A_756, %get3A_787 : vector<16xf32>
        %add3A_789 = arith.constant 20 : i32
        %add3A_790 = arith.addi %mul3A_439, %add3A_789 : i32
        %add3A_791 = arith.constant 1 : i32
        %add3A_792 = arith.addi %add3A_790, %add3A_791 : i32
        %get3A_793 = arith.index_cast %add3A_792 : i32 to index
        %get3A_794 = arith.constant 16 : index
        %get3A_795 = tpu.vector_load %arg15[%get3A_793, %get3A_794] {strides = array<i32>} : memref<3200x32xf32, #tpu.memory_space<vmem>>, vector<1x16xf32>,
        %get3A_796 = vector.shape_cast %get3A_795 : vector<1x16xf32> to vector<16xf32>
        %add3A_797 = arith.addf %add3A_765, %get3A_796 : vector<16xf32>
        %add3A_798 = arith.constant 22 : i32
        %add3A_799 = arith.addi %mul3A_439, %add3A_798 : i32
        %get3A_800 = arith.index_cast %add3A_799 : i32 to index
        %get3A_801 = arith.constant 0 : index
        %get3A_802 = tpu.vector_load %arg15[%get3A_800, %get3A_801] {strides = array<i32>} : memref<3200x32xf32, #tpu.memory_space<vmem>>, vector<1x16xf32>,
        %get3A_803 = vector.shape_cast %get3A_802 : vector<1x16xf32> to vector<16xf32>
        %add3A_804 = arith.addf %add3A_772, %get3A_803 : vector<16xf32>
        %add3A_805 = arith.constant 22 : i32
        %add3A_806 = arith.addi %mul3A_439, %add3A_805 : i32
        %get3A_807 = arith.index_cast %add3A_806 : i32 to index
        %get3A_808 = arith.constant 16 : index
        %get3A_809 = tpu.vector_load %arg15[%get3A_807, %get3A_808] {strides = array<i32>} : memref<3200x32xf32, #tpu.memory_space<vmem>>, vector<1x16xf32>,
        %get3A_810 = vector.shape_cast %get3A_809 : vector<1x16xf32> to vector<16xf32>
        %add3A_811 = arith.addf %add3A_779, %get3A_810 : vector<16xf32>
        %add3A_812 = arith.constant 22 : i32
        %add3A_813 = arith.addi %mul3A_439, %add3A_812 : i32
        %add3A_814 = arith.constant 1 : i32
        %add3A_815 = arith.addi %add3A_813, %add3A_814 : i32
        %get3A_816 = arith.index_cast %add3A_815 : i32 to index
        %get3A_817 = arith.constant 0 : index
        %get3A_818 = tpu.vector_load %arg15[%get3A_816, %get3A_817] {strides = array<i32>} : memref<3200x32xf32, #tpu.memory_space<vmem>>, vector<1x16xf32>,
        %get3A_819 = vector.shape_cast %get3A_818 : vector<1x16xf32> to vector<16xf32>
        %add3A_820 = arith.addf %add3A_788, %get3A_819 : vector<16xf32>
        %add3A_821 = arith.constant 22 : i32
        %add3A_822 = arith.addi %mul3A_439, %add3A_821 : i32
        %add3A_823 = arith.constant 1 : i32
        %add3A_824 = arith.addi %add3A_822, %add3A_823 : i32
        %get3A_825 = arith.index_cast %add3A_824 : i32 to index
        %get3A_826 = arith.constant 16 : index
        %get3A_827 = tpu.vector_load %arg15[%get3A_825, %get3A_826] {strides = array<i32>} : memref<3200x32xf32, #tpu.memory_space<vmem>>, vector<1x16xf32>,
        %get3A_828 = vector.shape_cast %get3A_827 : vector<1x16xf32> to vector<16xf32>
        %add3A_829 = arith.addf %add3A_797, %get3A_828 : vector<16xf32>
        %add3A_830 = arith.constant 24 : i32
        %add3A_831 = arith.addi %mul3A_439, %add3A_830 : i32
        %get3A_832 = arith.index_cast %add3A_831 : i32 to index
        %get3A_833 = arith.constant 0 : index
        %get3A_834 = tpu.vector_load %arg15[%get3A_832, %get3A_833] {strides = array<i32>} : memref<3200x32xf32, #tpu.memory_space<vmem>>, vector<1x16xf32>,
        %get3A_835 = vector.shape_cast %get3A_834 : vector<1x16xf32> to vector<16xf32>
        %add3A_836 = arith.addf %add3A_804, %get3A_835 : vector<16xf32>
        %add3A_837 = arith.constant 24 : i32
        %add3A_838 = arith.addi %mul3A_439, %add3A_837 : i32
        %get3A_839 = arith.index_cast %add3A_838 : i32 to index
        %get3A_840 = arith.constant 16 : index
        %get3A_841 = tpu.vector_load %arg15[%get3A_839, %get3A_840] {strides = array<i32>} : memref<3200x32xf32, #tpu.memory_space<vmem>>, vector<1x16xf32>,
        %get3A_842 = vector.shape_cast %get3A_841 : vector<1x16xf32> to vector<16xf32>
        %add3A_843 = arith.addf %add3A_811, %get3A_842 : vector<16xf32>
        %add3A_844 = arith.constant 24 : i32
        %add3A_845 = arith.addi %mul3A_439, %add3A_844 : i32
        %add3A_846 = arith.constant 1 : i32
        %add3A_847 = arith.addi %add3A_845, %add3A_846 : i32
        %get3A_848 = arith.index_cast %add3A_847 : i32 to index
        %get3A_849 = arith.constant 0 : index
        %get3A_850 = tpu.vector_load %arg15[%get3A_848, %get3A_849] {strides = array<i32>} : memref<3200x32xf32, #tpu.memory_space<vmem>>, vector<1x16xf32>,
        %get3A_851 = vector.shape_cast %get3A_850 : vector<1x16xf32> to vector<16xf32>
        %add3A_852 = arith.addf %add3A_820, %get3A_851 : vector<16xf32>
        %add3A_853 = arith.constant 24 : i32
        %add3A_854 = arith.addi %mul3A_439, %add3A_853 : i32
        %add3A_855 = arith.constant 1 : i32
        %add3A_856 = arith.addi %add3A_854, %add3A_855 : i32
        %get3A_857 = arith.index_cast %add3A_856 : i32 to index
        %get3A_858 = arith.constant 16 : index
        %get3A_859 = tpu.vector_load %arg15[%get3A_857, %get3A_858] {strides = array<i32>} : memref<3200x32xf32, #tpu.memory_space<vmem>>, vector<1x16xf32>,
        %get3A_860 = vector.shape_cast %get3A_859 : vector<1x16xf32> to vector<16xf32>
        %add3A_861 = arith.addf %add3A_829, %get3A_860 : vector<16xf32>
        %add3A_862 = arith.constant 26 : i32
        %add3A_863 = arith.addi %mul3A_439, %add3A_862 : i32
        %get3A_864 = arith.index_cast %add3A_863 : i32 to index
        %get3A_865 = arith.constant 0 : index
        %get3A_866 = tpu.vector_load %arg15[%get3A_864, %get3A_865] {strides = array<i32>} : memref<3200x32xf32, #tpu.memory_space<vmem>>, vector<1x16xf32>,
        %get3A_867 = vector.shape_cast %get3A_866 : vector<1x16xf32> to vector<16xf32>
        %add3A_868 = arith.addf %add3A_836, %get3A_867 : vector<16xf32>
        %add3A_869 = arith.constant 26 : i32
        %add3A_870 = arith.addi %mul3A_439, %add3A_869 : i32
        %get3A_871 = arith.index_cast %add3A_870 : i32 to index
        %get3A_872 = arith.constant 16 : index
        %get3A_873 = tpu.vector_load %arg15[%get3A_871, %get3A_872] {strides = array<i32>} : memref<3200x32xf32, #tpu.memory_space<vmem>>, vector<1x16xf32>,
        %get3A_874 = vector.shape_cast %get3A_873 : vector<1x16xf32> to vector<16xf32>
        %add3A_875 = arith.addf %add3A_843, %get3A_874 : vector<16xf32>
        %add3A_876 = arith.constant 26 : i32
        %add3A_877 = arith.addi %mul3A_439, %add3A_876 : i32
        %add3A_878 = arith.constant 1 : i32
        %add3A_879 = arith.addi %add3A_877, %add3A_878 : i32
        %get3A_880 = arith.index_cast %add3A_879 : i32 to index
        %get3A_881 = arith.constant 0 : index
        %get3A_882 = tpu.vector_load %arg15[%get3A_880, %get3A_881] {strides = array<i32>} : memref<3200x32xf32, #tpu.memory_space<vmem>>, vector<1x16xf32>,
        %get3A_883 = vector.shape_cast %get3A_882 : vector<1x16xf32> to vector<16xf32>
        %add3A_884 = arith.addf %add3A_852, %get3A_883 : vector<16xf32>
        %add3A_885 = arith.constant 26 : i32
        %add3A_886 = arith.addi %mul3A_439, %add3A_885 : i32
        %add3A_887 = arith.constant 1 : i32
        %add3A_888 = arith.addi %add3A_886, %add3A_887 : i32
        %get3A_889 = arith.index_cast %add3A_888 : i32 to index
        %get3A_890 = arith.constant 16 : index
        %get3A_891 = tpu.vector_load %arg15[%get3A_889, %get3A_890] {strides = array<i32>} : memref<3200x32xf32, #tpu.memory_space<vmem>>, vector<1x16xf32>,
        %get3A_892 = vector.shape_cast %get3A_891 : vector<1x16xf32> to vector<16xf32>
        %add3A_893 = arith.addf %add3A_861, %get3A_892 : vector<16xf32>
        %add3A_894 = arith.constant 28 : i32
        %add3A_895 = arith.addi %mul3A_439, %add3A_894 : i32
        %get3A_896 = arith.index_cast %add3A_895 : i32 to index
        %get3A_897 = arith.constant 0 : index
        %get3A_898 = tpu.vector_load %arg15[%get3A_896, %get3A_897] {strides = array<i32>} : memref<3200x32xf32, #tpu.memory_space<vmem>>, vector<1x16xf32>,
        %get3A_899 = vector.shape_cast %get3A_898 : vector<1x16xf32> to vector<16xf32>
        %add3A_900 = arith.addf %add3A_868, %get3A_899 : vector<16xf32>
        %add3A_901 = arith.constant 28 : i32
        %add3A_902 = arith.addi %mul3A_439, %add3A_901 : i32
        %get3A_903 = arith.index_cast %add3A_902 : i32 to index
        %get3A_904 = arith.constant 16 : index
        %get3A_905 = tpu.vector_load %arg15[%get3A_903, %get3A_904] {strides = array<i32>} : memref<3200x32xf32, #tpu.memory_space<vmem>>, vector<1x16xf32>,
        %get3A_906 = vector.shape_cast %get3A_905 : vector<1x16xf32> to vector<16xf32>
        %add3A_907 = arith.addf %add3A_875, %get3A_906 : vector<16xf32>
        %add3A_908 = arith.constant 28 : i32
        %add3A_909 = arith.addi %mul3A_439, %add3A_908 : i32
        %add3A_910 = arith.constant 1 : i32
        %add3A_911 = arith.addi %add3A_909, %add3A_910 : i32
        %get3A_912 = arith.index_cast %add3A_911 : i32 to index
        %get3A_913 = arith.constant 0 : index
        %get3A_914 = tpu.vector_load %arg15[%get3A_912, %get3A_913] {strides = array<i32>} : memref<3200x32xf32, #tpu.memory_space<vmem>>, vector<1x16xf32>,
        %get3A_915 = vector.shape_cast %get3A_914 : vector<1x16xf32> to vector<16xf32>
        %add3A_916 = arith.addf %add3A_884, %get3A_915 : vector<16xf32>
        %add3A_917 = arith.constant 28 : i32
        %add3A_918 = arith.addi %mul3A_439, %add3A_917 : i32
        %add3A_919 = arith.constant 1 : i32
        %add3A_920 = arith.addi %add3A_918, %add3A_919 : i32
        %get3A_921 = arith.index_cast %add3A_920 : i32 to index
        %get3A_922 = arith.constant 16 : index
        %get3A_923 = tpu.vector_load %arg15[%get3A_921, %get3A_922] {strides = array<i32>} : memref<3200x32xf32, #tpu.memory_space<vmem>>, vector<1x16xf32>,
        %get3A_924 = vector.shape_cast %get3A_923 : vector<1x16xf32> to vector<16xf32>
        %add3A_925 = arith.addf %add3A_893, %get3A_924 : vector<16xf32>
        %add3A_926 = arith.constant 30 : i32
        %add3A_927 = arith.addi %mul3A_439, %add3A_926 : i32
        %get3A_928 = arith.index_cast %add3A_927 : i32 to index
        %get3A_929 = arith.constant 0 : index
        %get3A_930 = tpu.vector_load %arg15[%get3A_928, %get3A_929] {strides = array<i32>} : memref<3200x32xf32, #tpu.memory_space<vmem>>, vector<1x16xf32>,
        %get3A_931 = vector.shape_cast %get3A_930 : vector<1x16xf32> to vector<16xf32>
        %add3A_932 = arith.addf %add3A_900, %get3A_931 : vector<16xf32>
        %add3A_933 = arith.constant 30 : i32
        %add3A_934 = arith.addi %mul3A_439, %add3A_933 : i32
        %get3A_935 = arith.index_cast %add3A_934 : i32 to index
        %get3A_936 = arith.constant 16 : index
        %get3A_937 = tpu.vector_load %arg15[%get3A_935, %get3A_936] {strides = array<i32>} : memref<3200x32xf32, #tpu.memory_space<vmem>>, vector<1x16xf32>,
        %get3A_938 = vector.shape_cast %get3A_937 : vector<1x16xf32> to vector<16xf32>
        %add3A_939 = arith.addf %add3A_907, %get3A_938 : vector<16xf32>
        %add3A_940 = arith.constant 30 : i32
        %add3A_941 = arith.addi %mul3A_439, %add3A_940 : i32
        %add3A_942 = arith.constant 1 : i32
        %add3A_943 = arith.addi %add3A_941, %add3A_942 : i32
        %get3A_944 = arith.index_cast %add3A_943 : i32 to index
        %get3A_945 = arith.constant 0 : index
        %get3A_946 = tpu.vector_load %arg15[%get3A_944, %get3A_945] {strides = array<i32>} : memref<3200x32xf32, #tpu.memory_space<vmem>>, vector<1x16xf32>,
        %get3A_947 = vector.shape_cast %get3A_946 : vector<1x16xf32> to vector<16xf32>
        %add3A_948 = arith.addf %add3A_916, %get3A_947 : vector<16xf32>
        %add3A_949 = arith.constant 30 : i32
        %add3A_950 = arith.addi %mul3A_439, %add3A_949 : i32
        %add3A_951 = arith.constant 1 : i32
        %add3A_952 = arith.addi %add3A_950, %add3A_951 : i32
        %get3A_953 = arith.index_cast %add3A_952 : i32 to index
        %get3A_954 = arith.constant 16 : index
        %get3A_955 = tpu.vector_load %arg15[%get3A_953, %get3A_954] {strides = array<i32>} : memref<3200x32xf32, #tpu.memory_space<vmem>>, vector<1x16xf32>,
        %get3A_956 = vector.shape_cast %get3A_955 : vector<1x16xf32> to vector<16xf32>
        %add3A_957 = arith.addf %add3A_925, %get3A_956 : vector<16xf32>
        %add3A_958 = arith.constant 32 : i32
        %add3A_959 = arith.addi %mul3A_439, %add3A_958 : i32
        %get3A_960 = arith.index_cast %add3A_959 : i32 to index
        %get3A_961 = arith.constant 0 : index
        %get3A_962 = tpu.vector_load %arg15[%get3A_960, %get3A_961] {strides = array<i32>} : memref<3200x32xf32, #tpu.memory_space<vmem>>, vector<1x16xf32>,
        %get3A_963 = vector.shape_cast %get3A_962 : vector<1x16xf32> to vector<16xf32>
        %add3A_964 = arith.addf %add3A_932, %get3A_963 : vector<16xf32>
        %add3A_965 = arith.constant 32 : i32
        %add3A_966 = arith.addi %mul3A_439, %add3A_965 : i32
        %get3A_967 = arith.index_cast %add3A_966 : i32 to index
        %get3A_968 = arith.constant 16 : index
        %get3A_969 = tpu.vector_load %arg15[%get3A_967, %get3A_968] {strides = array<i32>} : memref<3200x32xf32, #tpu.memory_space<vmem>>, vector<1x16xf32>,
        %get3A_970 = vector.shape_cast %get3A_969 : vector<1x16xf32> to vector<16xf32>
        %add3A_971 = arith.addf %add3A_939, %get3A_970 : vector<16xf32>
        %add3A_972 = arith.constant 32 : i32
        %add3A_973 = arith.addi %mul3A_439, %add3A_972 : i32
        %add3A_974 = arith.constant 1 : i32
        %add3A_975 = arith.addi %add3A_973, %add3A_974 : i32
        %get3A_976 = arith.index_cast %add3A_975 : i32 to index
        %get3A_977 = arith.constant 0 : index
        %get3A_978 = tpu.vector_load %arg15[%get3A_976, %get3A_977] {strides = array<i32>} : memref<3200x32xf32, #tpu.memory_space<vmem>>, vector<1x16xf32>,
        %get3A_979 = vector.shape_cast %get3A_978 : vector<1x16xf32> to vector<16xf32>
        %add3A_980 = arith.addf %add3A_948, %get3A_979 : vector<16xf32>
        %add3A_981 = arith.constant 32 : i32
        %add3A_982 = arith.addi %mul3A_439, %add3A_981 : i32
        %add3A_983 = arith.constant 1 : i32
        %add3A_984 = arith.addi %add3A_982, %add3A_983 : i32
        %get3A_985 = arith.index_cast %add3A_984 : i32 to index
        %get3A_986 = arith.constant 16 : index
        %get3A_987 = tpu.vector_load %arg15[%get3A_985, %get3A_986] {strides = array<i32>} : memref<3200x32xf32, #tpu.memory_space<vmem>>, vector<1x16xf32>,
        %get3A_988 = vector.shape_cast %get3A_987 : vector<1x16xf32> to vector<16xf32>
        %add3A_989 = arith.addf %add3A_957, %get3A_988 : vector<16xf32>
        %add3A_990 = arith.constant 34 : i32
        %add3A_991 = arith.addi %mul3A_439, %add3A_990 : i32
        %get3A_992 = arith.index_cast %add3A_991 : i32 to index
        %get3A_993 = arith.constant 0 : index
        %get3A_994 = tpu.vector_load %arg15[%get3A_992, %get3A_993] {strides = array<i32>} : memref<3200x32xf32, #tpu.memory_space<vmem>>, vector<1x16xf32>,
        %get3A_995 = vector.shape_cast %get3A_994 : vector<1x16xf32> to vector<16xf32>
        %add3A_996 = arith.addf %add3A_964, %get3A_995 : vector<16xf32>
        %add3A_997 = arith.constant 34 : i32
        %add3A_998 = arith.addi %mul3A_439, %add3A_997 : i32
        %get3A_999 = arith.index_cast %add3A_998 : i32 to index
        %get3A_1000 = arith.constant 16 : index
        %get3A_1001 = tpu.vector_load %arg15[%get3A_999, %get3A_1000] {strides = array<i32>} : memref<3200x32xf32, #tpu.memory_space<vmem>>, vector<1x16xf32>,
        %get3A_1002 = vector.shape_cast %get3A_1001 : vector<1x16xf32> to vector<16xf32>
        %add3A_1003 = arith.addf %add3A_971, %get3A_1002 : vector<16xf32>
        %add3A_1004 = arith.constant 34 : i32
        %add3A_1005 = arith.addi %mul3A_439, %add3A_1004 : i32
        %add3A_1006 = arith.constant 1 : i32
        %add3A_1007 = arith.addi %add3A_1005, %add3A_1006 : i32
        %get3A_1008 = arith.index_cast %add3A_1007 : i32 to index
        %get3A_1009 = arith.constant 0 : index
        %get3A_1010 = tpu.vector_load %arg15[%get3A_1008, %get3A_1009] {strides = array<i32>} : memref<3200x32xf32, #tpu.memory_space<vmem>>, vector<1x16xf32>,
        %get3A_1011 = vector.shape_cast %get3A_1010 : vector<1x16xf32> to vector<16xf32>
        %add3A_1012 = arith.addf %add3A_980, %get3A_1011 : vector<16xf32>
        %add3A_1013 = arith.constant 34 : i32
        %add3A_1014 = arith.addi %mul3A_439, %add3A_1013 : i32
        %add3A_1015 = arith.constant 1 : i32
        %add3A_1016 = arith.addi %add3A_1014, %add3A_1015 : i32
        %get3A_1017 = arith.index_cast %add3A_1016 : i32 to index
        %get3A_1018 = arith.constant 16 : index
        %get3A_1019 = tpu.vector_load %arg15[%get3A_1017, %get3A_1018] {strides = array<i32>} : memref<3200x32xf32, #tpu.memory_space<vmem>>, vector<1x16xf32>,
        %get3A_1020 = vector.shape_cast %get3A_1019 : vector<1x16xf32> to vector<16xf32>
        %add3A_1021 = arith.addf %add3A_989, %get3A_1020 : vector<16xf32>
        %add3A_1022 = arith.constant 36 : i32
        %add3A_1023 = arith.addi %mul3A_439, %add3A_1022 : i32
        %get3A_1024 = arith.index_cast %add3A_1023 : i32 to index
        %get3A_1025 = arith.constant 0 : index
        %get3A_1026 = tpu.vector_load %arg15[%get3A_1024, %get3A_1025] {strides = array<i32>} : memref<3200x32xf32, #tpu.memory_space<vmem>>, vector<1x16xf32>,
        %get3A_1027 = vector.shape_cast %get3A_1026 : vector<1x16xf32> to vector<16xf32>
        %add3A_1028 = arith.addf %add3A_996, %get3A_1027 : vector<16xf32>
        %add3A_1029 = arith.constant 36 : i32
        %add3A_1030 = arith.addi %mul3A_439, %add3A_1029 : i32
        %get3A_1031 = arith.index_cast %add3A_1030 : i32 to index
        %get3A_1032 = arith.constant 16 : index
        %get3A_1033 = tpu.vector_load %arg15[%get3A_1031, %get3A_1032] {strides = array<i32>} : memref<3200x32xf32, #tpu.memory_space<vmem>>, vector<1x16xf32>,
        %get3A_1034 = vector.shape_cast %get3A_1033 : vector<1x16xf32> to vector<16xf32>
        %add3A_1035 = arith.addf %add3A_1003, %get3A_1034 : vector<16xf32>
        %add3A_1036 = arith.constant 36 : i32
        %add3A_1037 = arith.addi %mul3A_439, %add3A_1036 : i32
        %add3A_1038 = arith.constant 1 : i32
        %add3A_1039 = arith.addi %add3A_1037, %add3A_1038 : i32
        %get3A_1040 = arith.index_cast %add3A_1039 : i32 to index
        %get3A_1041 = arith.constant 0 : index
        %get3A_1042 = tpu.vector_load %arg15[%get3A_1040, %get3A_1041] {strides = array<i32>} : memref<3200x32xf32, #tpu.memory_space<vmem>>, vector<1x16xf32>,
        %get3A_1043 = vector.shape_cast %get3A_1042 : vector<1x16xf32> to vector<16xf32>
        %add3A_1044 = arith.addf %add3A_1012, %get3A_1043 : vector<16xf32>
        %add3A_1045 = arith.constant 36 : i32
        %add3A_1046 = arith.addi %mul3A_439, %add3A_1045 : i32
        %add3A_1047 = arith.constant 1 : i32
        %add3A_1048 = arith.addi %add3A_1046, %add3A_1047 : i32
        %get3A_1049 = arith.index_cast %add3A_1048 : i32 to index
        %get3A_1050 = arith.constant 16 : index
        %get3A_1051 = tpu.vector_load %arg15[%get3A_1049, %get3A_1050] {strides = array<i32>} : memref<3200x32xf32, #tpu.memory_space<vmem>>, vector<1x16xf32>,
        %get3A_1052 = vector.shape_cast %get3A_1051 : vector<1x16xf32> to vector<16xf32>
        %add3A_1053 = arith.addf %add3A_1021, %get3A_1052 : vector<16xf32>
        %add3A_1054 = arith.constant 38 : i32
        %add3A_1055 = arith.addi %mul3A_439, %add3A_1054 : i32
        %get3A_1056 = arith.index_cast %add3A_1055 : i32 to index
        %get3A_1057 = arith.constant 0 : index
        %get3A_1058 = tpu.vector_load %arg15[%get3A_1056, %get3A_1057] {strides = array<i32>} : memref<3200x32xf32, #tpu.memory_space<vmem>>, vector<1x16xf32>,
        %get3A_1059 = vector.shape_cast %get3A_1058 : vector<1x16xf32> to vector<16xf32>
        %add3A_1060 = arith.addf %add3A_1028, %get3A_1059 : vector<16xf32>
        %add3A_1061 = arith.constant 38 : i32
        %add3A_1062 = arith.addi %mul3A_439, %add3A_1061 : i32
        %get3A_1063 = arith.index_cast %add3A_1062 : i32 to index
        %get3A_1064 = arith.constant 16 : index
        %get3A_1065 = tpu.vector_load %arg15[%get3A_1063, %get3A_1064] {strides = array<i32>} : memref<3200x32xf32, #tpu.memory_space<vmem>>, vector<1x16xf32>,
        %get3A_1066 = vector.shape_cast %get3A_1065 : vector<1x16xf32> to vector<16xf32>
        %add3A_1067 = arith.addf %add3A_1035, %get3A_1066 : vector<16xf32>
        %add3A_1068 = arith.constant 38 : i32
        %add3A_1069 = arith.addi %mul3A_439, %add3A_1068 : i32
        %add3A_1070 = arith.constant 1 : i32
        %add3A_1071 = arith.addi %add3A_1069, %add3A_1070 : i32
        %get3A_1072 = arith.index_cast %add3A_1071 : i32 to index
        %get3A_1073 = arith.constant 0 : index
        %get3A_1074 = tpu.vector_load %arg15[%get3A_1072, %get3A_1073] {strides = array<i32>} : memref<3200x32xf32, #tpu.memory_space<vmem>>, vector<1x16xf32>,
        %get3A_1075 = vector.shape_cast %get3A_1074 : vector<1x16xf32> to vector<16xf32>
        %add3A_1076 = arith.addf %add3A_1044, %get3A_1075 : vector<16xf32>
        %add3A_1077 = arith.constant 38 : i32
        %add3A_1078 = arith.addi %mul3A_439, %add3A_1077 : i32
        %add3A_1079 = arith.constant 1 : i32
        %add3A_1080 = arith.addi %add3A_1078, %add3A_1079 : i32
        %get3A_1081 = arith.index_cast %add3A_1080 : i32 to index
        %get3A_1082 = arith.constant 16 : index
        %get3A_1083 = tpu.vector_load %arg15[%get3A_1081, %get3A_1082] {strides = array<i32>} : memref<3200x32xf32, #tpu.memory_space<vmem>>, vector<1x16xf32>,
        %get3A_1084 = vector.shape_cast %get3A_1083 : vector<1x16xf32> to vector<16xf32>
        %add3A_1085 = arith.addf %add3A_1053, %get3A_1084 : vector<16xf32>
        %add3A_1086 = arith.constant 40 : i32
        %add3A_1087 = arith.addi %mul3A_439, %add3A_1086 : i32
        %get3A_1088 = arith.index_cast %add3A_1087 : i32 to index
        %get3A_1089 = arith.constant 0 : index
        %get3A_1090 = tpu.vector_load %arg15[%get3A_1088, %get3A_1089] {strides = array<i32>} : memref<3200x32xf32, #tpu.memory_space<vmem>>, vector<1x16xf32>,
        %get3A_1091 = vector.shape_cast %get3A_1090 : vector<1x16xf32> to vector<16xf32>
        %add3A_1092 = arith.addf %add3A_1060, %get3A_1091 : vector<16xf32>
        %add3A_1093 = arith.constant 40 : i32
        %add3A_1094 = arith.addi %mul3A_439, %add3A_1093 : i32
        %get3A_1095 = arith.index_cast %add3A_1094 : i32 to index
        %get3A_1096 = arith.constant 16 : index
        %get3A_1097 = tpu.vector_load %arg15[%get3A_1095, %get3A_1096] {strides = array<i32>} : memref<3200x32xf32, #tpu.memory_space<vmem>>, vector<1x16xf32>,
        %get3A_1098 = vector.shape_cast %get3A_1097 : vector<1x16xf32> to vector<16xf32>
        %add3A_1099 = arith.addf %add3A_1067, %get3A_1098 : vector<16xf32>
        %add3A_1100 = arith.constant 40 : i32
        %add3A_1101 = arith.addi %mul3A_439, %add3A_1100 : i32
        %add3A_1102 = arith.constant 1 : i32
        %add3A_1103 = arith.addi %add3A_1101, %add3A_1102 : i32
        %get3A_1104 = arith.index_cast %add3A_1103 : i32 to index
        %get3A_1105 = arith.constant 0 : index
        %get3A_1106 = tpu.vector_load %arg15[%get3A_1104, %get3A_1105] {strides = array<i32>} : memref<3200x32xf32, #tpu.memory_space<vmem>>, vector<1x16xf32>,
        %get3A_1107 = vector.shape_cast %get3A_1106 : vector<1x16xf32> to vector<16xf32>
        %add3A_1108 = arith.addf %add3A_1076, %get3A_1107 : vector<16xf32>
        %add3A_1109 = arith.constant 40 : i32
        %add3A_1110 = arith.addi %mul3A_439, %add3A_1109 : i32
        %add3A_1111 = arith.constant 1 : i32
        %add3A_1112 = arith.addi %add3A_1110, %add3A_1111 : i32
        %get3A_1113 = arith.index_cast %add3A_1112 : i32 to index
        %get3A_1114 = arith.constant 16 : index
        %get3A_1115 = tpu.vector_load %arg15[%get3A_1113, %get3A_1114] {strides = array<i32>} : memref<3200x32xf32, #tpu.memory_space<vmem>>, vector<1x16xf32>,
        %get3A_1116 = vector.shape_cast %get3A_1115 : vector<1x16xf32> to vector<16xf32>
        %add3A_1117 = arith.addf %add3A_1085, %get3A_1116 : vector<16xf32>
        %add3A_1118 = arith.constant 42 : i32
        %add3A_1119 = arith.addi %mul3A_439, %add3A_1118 : i32
        %get3A_1120 = arith.index_cast %add3A_1119 : i32 to index
        %get3A_1121 = arith.constant 0 : index
        %get3A_1122 = tpu.vector_load %arg15[%get3A_1120, %get3A_1121] {strides = array<i32>} : memref<3200x32xf32, #tpu.memory_space<vmem>>, vector<1x16xf32>,
        %get3A_1123 = vector.shape_cast %get3A_1122 : vector<1x16xf32> to vector<16xf32>
        %add3A_1124 = arith.addf %add3A_1092, %get3A_1123 : vector<16xf32>
        %add3A_1125 = arith.constant 42 : i32
        %add3A_1126 = arith.addi %mul3A_439, %add3A_1125 : i32
        %get3A_1127 = arith.index_cast %add3A_1126 : i32 to index
        %get3A_1128 = arith.constant 16 : index
        %get3A_1129 = tpu.vector_load %arg15[%get3A_1127, %get3A_1128] {strides = array<i32>} : memref<3200x32xf32, #tpu.memory_space<vmem>>, vector<1x16xf32>,
        %get3A_1130 = vector.shape_cast %get3A_1129 : vector<1x16xf32> to vector<16xf32>
        %add3A_1131 = arith.addf %add3A_1099, %get3A_1130 : vector<16xf32>
        %add3A_1132 = arith.constant 42 : i32
        %add3A_1133 = arith.addi %mul3A_439, %add3A_1132 : i32
        %add3A_1134 = arith.constant 1 : i32
        %add3A_1135 = arith.addi %add3A_1133, %add3A_1134 : i32
        %get3A_1136 = arith.index_cast %add3A_1135 : i32 to index
        %get3A_1137 = arith.constant 0 : index
        %get3A_1138 = tpu.vector_load %arg15[%get3A_1136, %get3A_1137] {strides = array<i32>} : memref<3200x32xf32, #tpu.memory_space<vmem>>, vector<1x16xf32>,
        %get3A_1139 = vector.shape_cast %get3A_1138 : vector<1x16xf32> to vector<16xf32>
        %add3A_1140 = arith.addf %add3A_1108, %get3A_1139 : vector<16xf32>
        %add3A_1141 = arith.constant 42 : i32
        %add3A_1142 = arith.addi %mul3A_439, %add3A_1141 : i32
        %add3A_1143 = arith.constant 1 : i32
        %add3A_1144 = arith.addi %add3A_1142, %add3A_1143 : i32
        %get3A_1145 = arith.index_cast %add3A_1144 : i32 to index
        %get3A_1146 = arith.constant 16 : index
        %get3A_1147 = tpu.vector_load %arg15[%get3A_1145, %get3A_1146] {strides = array<i32>} : memref<3200x32xf32, #tpu.memory_space<vmem>>, vector<1x16xf32>,
        %get3A_1148 = vector.shape_cast %get3A_1147 : vector<1x16xf32> to vector<16xf32>
        %add3A_1149 = arith.addf %add3A_1117, %get3A_1148 : vector<16xf32>
        %add3A_1150 = arith.constant 44 : i32
        %add3A_1151 = arith.addi %mul3A_439, %add3A_1150 : i32
        %get3A_1152 = arith.index_cast %add3A_1151 : i32 to index
        %get3A_1153 = arith.constant 0 : index
        %get3A_1154 = tpu.vector_load %arg15[%get3A_1152, %get3A_1153] {strides = array<i32>} : memref<3200x32xf32, #tpu.memory_space<vmem>>, vector<1x16xf32>,
        %get3A_1155 = vector.shape_cast %get3A_1154 : vector<1x16xf32> to vector<16xf32>
        %add3A_1156 = arith.addf %add3A_1124, %get3A_1155 : vector<16xf32>
        %add3A_1157 = arith.constant 44 : i32
        %add3A_1158 = arith.addi %mul3A_439, %add3A_1157 : i32
        %get3A_1159 = arith.index_cast %add3A_1158 : i32 to index
        %get3A_1160 = arith.constant 16 : index
        %get3A_1161 = tpu.vector_load %arg15[%get3A_1159, %get3A_1160] {strides = array<i32>} : memref<3200x32xf32, #tpu.memory_space<vmem>>, vector<1x16xf32>,
        %get3A_1162 = vector.shape_cast %get3A_1161 : vector<1x16xf32> to vector<16xf32>
        %add3A_1163 = arith.addf %add3A_1131, %get3A_1162 : vector<16xf32>
        %add3A_1164 = arith.constant 44 : i32
        %add3A_1165 = arith.addi %mul3A_439, %add3A_1164 : i32
        %add3A_1166 = arith.constant 1 : i32
        %add3A_1167 = arith.addi %add3A_1165, %add3A_1166 : i32
        %get3A_1168 = arith.index_cast %add3A_1167 : i32 to index
        %get3A_1169 = arith.constant 0 : index
        %get3A_1170 = tpu.vector_load %arg15[%get3A_1168, %get3A_1169] {strides = array<i32>} : memref<3200x32xf32, #tpu.memory_space<vmem>>, vector<1x16xf32>,
        %get3A_1171 = vector.shape_cast %get3A_1170 : vector<1x16xf32> to vector<16xf32>
        %add3A_1172 = arith.addf %add3A_1140, %get3A_1171 : vector<16xf32>
        %add3A_1173 = arith.constant 44 : i32
        %add3A_1174 = arith.addi %mul3A_439, %add3A_1173 : i32
        %add3A_1175 = arith.constant 1 : i32
        %add3A_1176 = arith.addi %add3A_1174, %add3A_1175 : i32
        %get3A_1177 = arith.index_cast %add3A_1176 : i32 to index
        %get3A_1178 = arith.constant 16 : index
        %get3A_1179 = tpu.vector_load %arg15[%get3A_1177, %get3A_1178] {strides = array<i32>} : memref<3200x32xf32, #tpu.memory_space<vmem>>, vector<1x16xf32>,
        %get3A_1180 = vector.shape_cast %get3A_1179 : vector<1x16xf32> to vector<16xf32>
        %add3A_1181 = arith.addf %add3A_1149, %get3A_1180 : vector<16xf32>
        %add3A_1182 = arith.constant 46 : i32
        %add3A_1183 = arith.addi %mul3A_439, %add3A_1182 : i32
        %get3A_1184 = arith.index_cast %add3A_1183 : i32 to index
        %get3A_1185 = arith.constant 0 : index
        %get3A_1186 = tpu.vector_load %arg15[%get3A_1184, %get3A_1185] {strides = array<i32>} : memref<3200x32xf32, #tpu.memory_space<vmem>>, vector<1x16xf32>,
        %get3A_1187 = vector.shape_cast %get3A_1186 : vector<1x16xf32> to vector<16xf32>
        %add3A_1188 = arith.addf %add3A_1156, %get3A_1187 : vector<16xf32>
        %add3A_1189 = arith.constant 46 : i32
        %add3A_1190 = arith.addi %mul3A_439, %add3A_1189 : i32
        %get3A_1191 = arith.index_cast %add3A_1190 : i32 to index
        %get3A_1192 = arith.constant 16 : index
        %get3A_1193 = tpu.vector_load %arg15[%get3A_1191, %get3A_1192] {strides = array<i32>} : memref<3200x32xf32, #tpu.memory_space<vmem>>, vector<1x16xf32>,
        %get3A_1194 = vector.shape_cast %get3A_1193 : vector<1x16xf32> to vector<16xf32>
        %add3A_1195 = arith.addf %add3A_1163, %get3A_1194 : vector<16xf32>
        %add3A_1196 = arith.constant 46 : i32
        %add3A_1197 = arith.addi %mul3A_439, %add3A_1196 : i32
        %add3A_1198 = arith.constant 1 : i32
        %add3A_1199 = arith.addi %add3A_1197, %add3A_1198 : i32
        %get3A_1200 = arith.index_cast %add3A_1199 : i32 to index
        %get3A_1201 = arith.constant 0 : index
        %get3A_1202 = tpu.vector_load %arg15[%get3A_1200, %get3A_1201] {strides = array<i32>} : memref<3200x32xf32, #tpu.memory_space<vmem>>, vector<1x16xf32>,
        %get3A_1203 = vector.shape_cast %get3A_1202 : vector<1x16xf32> to vector<16xf32>
        %add3A_1204 = arith.addf %add3A_1172, %get3A_1203 : vector<16xf32>
        %add3A_1205 = arith.constant 46 : i32
        %add3A_1206 = arith.addi %mul3A_439, %add3A_1205 : i32
        %add3A_1207 = arith.constant 1 : i32
        %add3A_1208 = arith.addi %add3A_1206, %add3A_1207 : i32
        %get3A_1209 = arith.index_cast %add3A_1208 : i32 to index
        %get3A_1210 = arith.constant 16 : index
        %get3A_1211 = tpu.vector_load %arg15[%get3A_1209, %get3A_1210] {strides = array<i32>} : memref<3200x32xf32, #tpu.memory_space<vmem>>, vector<1x16xf32>,
        %get3A_1212 = vector.shape_cast %get3A_1211 : vector<1x16xf32> to vector<16xf32>
        %add3A_1213 = arith.addf %add3A_1181, %get3A_1212 : vector<16xf32>
        %add3A_1214 = arith.constant 48 : i32
        %add3A_1215 = arith.addi %mul3A_439, %add3A_1214 : i32
        %get3A_1216 = arith.index_cast %add3A_1215 : i32 to index
        %get3A_1217 = arith.constant 0 : index
        %get3A_1218 = tpu.vector_load %arg15[%get3A_1216, %get3A_1217] {strides = array<i32>} : memref<3200x32xf32, #tpu.memory_space<vmem>>, vector<1x16xf32>,
        %get3A_1219 = vector.shape_cast %get3A_1218 : vector<1x16xf32> to vector<16xf32>
        %add3A_1220 = arith.addf %add3A_1188, %get3A_1219 : vector<16xf32>
        %add3A_1221 = arith.constant 48 : i32
        %add3A_1222 = arith.addi %mul3A_439, %add3A_1221 : i32
        %get3A_1223 = arith.index_cast %add3A_1222 : i32 to index
        %get3A_1224 = arith.constant 16 : index
        %get3A_1225 = tpu.vector_load %arg15[%get3A_1223, %get3A_1224] {strides = array<i32>} : memref<3200x32xf32, #tpu.memory_space<vmem>>, vector<1x16xf32>,
        %get3A_1226 = vector.shape_cast %get3A_1225 : vector<1x16xf32> to vector<16xf32>
        %add3A_1227 = arith.addf %add3A_1195, %get3A_1226 : vector<16xf32>
        %add3A_1228 = arith.constant 48 : i32
        %add3A_1229 = arith.addi %mul3A_439, %add3A_1228 : i32
        %add3A_1230 = arith.constant 1 : i32
        %add3A_1231 = arith.addi %add3A_1229, %add3A_1230 : i32
        %get3A_1232 = arith.index_cast %add3A_1231 : i32 to index
        %get3A_1233 = arith.constant 0 : index
        %get3A_1234 = tpu.vector_load %arg15[%get3A_1232, %get3A_1233] {strides = array<i32>} : memref<3200x32xf32, #tpu.memory_space<vmem>>, vector<1x16xf32>,
        %get3A_1235 = vector.shape_cast %get3A_1234 : vector<1x16xf32> to vector<16xf32>
        %add3A_1236 = arith.addf %add3A_1204, %get3A_1235 : vector<16xf32>
        %add3A_1237 = arith.constant 48 : i32
        %add3A_1238 = arith.addi %mul3A_439, %add3A_1237 : i32
        %add3A_1239 = arith.constant 1 : i32
        %add3A_1240 = arith.addi %add3A_1238, %add3A_1239 : i32
        %get3A_1241 = arith.index_cast %add3A_1240 : i32 to index
        %get3A_1242 = arith.constant 16 : index
        %get3A_1243 = tpu.vector_load %arg15[%get3A_1241, %get3A_1242] {strides = array<i32>} : memref<3200x32xf32, #tpu.memory_space<vmem>>, vector<1x16xf32>,
        %get3A_1244 = vector.shape_cast %get3A_1243 : vector<1x16xf32> to vector<16xf32>
        %add3A_1245 = arith.addf %add3A_1213, %get3A_1244 : vector<16xf32>
        %add3A_1246 = arith.addf %add3A_1220, %add3A_1236 : vector<16xf32>
        %mul3A_1247 = vector.broadcast %scan3A_3 : f32 to vector<16xf32>
        %mul3A_1248 = arith.mulf %add3A_1246, %mul3A_1247 : vector<16xf32>
        %swap3A = arith.index_cast %scan3A_437 : i32 to index
        %swap3A_1249 = arith.constant 0 : index
        %swap3A_1250 = tpu.vector_load %arg19[%swap3A, %swap3A_1249] {strides = array<i32>} : memref<64x128xf32, #tpu.memory_space<vmem>>, vector<1x16xf32>,
        %swap3A_1251 = vector.shape_cast %swap3A_1250 : vector<1x16xf32> to vector<16xf32>
        %swap3A_1252 = vector.shape_cast %mul3A_1248 : vector<16xf32> to vector<1x16xf32>
        tpu.vector_store %arg19[%swap3A, %swap3A_1249], %swap3A_1252 {strides = array<i32>} : memref<64x128xf32, #tpu.memory_space<vmem>>, vector<1x16xf32>,
        %add3A_1253 = arith.addf %add3A_1227, %add3A_1245 : vector<16xf32>
        %mul3A_1254 = vector.broadcast %scan3A_3 : f32 to vector<16xf32>
        %mul3A_1255 = arith.mulf %add3A_1253, %mul3A_1254 : vector<16xf32>
        %swap3A_1256 = arith.index_cast %scan3A_437 : i32 to index
        %swap3A_1257 = arith.constant 16 : index
        %swap3A_1258 = tpu.vector_load %arg19[%swap3A_1256, %swap3A_1257] {strides = array<i32>} : memref<64x128xf32, #tpu.memory_space<vmem>>, vector<1x16xf32>,
        %swap3A_1259 = vector.shape_cast %swap3A_1258 : vector<1x16xf32> to vector<16xf32>
        %swap3A_1260 = vector.shape_cast %mul3A_1255 : vector<16xf32> to vector<1x16xf32>
        tpu.vector_store %arg19[%swap3A_1256, %swap3A_1257], %swap3A_1260 {strides = array<i32>} : memref<64x128xf32, #tpu.memory_space<vmem>>, vector<1x16xf32>,
        %get3A_1261 = arith.index_cast %scan3A_437 : i32 to index
        %get3A_1262 = arith.constant 0 : index
        %get3A_1263 = tpu.vector_load %arg16[%get3A_1261, %get3A_1262] {strides = array<i32>} : memref<64x32xf32, #tpu.memory_space<vmem>>, vector<1x16xf32>,
        %get3A_1264 = vector.shape_cast %get3A_1263 : vector<1x16xf32> to vector<16xf32>
        %swap3A_1265 = arith.index_cast %scan3A_437 : i32 to index
        %swap3A_1266 = arith.constant 32 : index
        %swap3A_1267 = tpu.vector_load %arg19[%swap3A_1265, %swap3A_1266] {strides = array<i32>} : memref<64x128xf32, #tpu.memory_space<vmem>>, vector<1x16xf32>,
        %swap3A_1268 = vector.shape_cast %swap3A_1267 : vector<1x16xf32> to vector<16xf32>
        %swap3A_1269 = vector.shape_cast %get3A_1264 : vector<16xf32> to vector<1x16xf32>
        tpu.vector_store %arg19[%swap3A_1265, %swap3A_1266], %swap3A_1269 {strides = array<i32>} : memref<64x128xf32, #tpu.memory_space<vmem>>, vector<1x16xf32>,
        %get3A_1270 = arith.index_cast %scan3A_437 : i32 to index
        %get3A_1271 = arith.constant 16 : index
        %get3A_1272 = tpu.vector_load %arg16[%get3A_1270, %get3A_1271] {strides = array<i32>} : memref<64x32xf32, #tpu.memory_space<vmem>>, vector<1x16xf32>,
        %get3A_1273 = vector.shape_cast %get3A_1272 : vector<1x16xf32> to vector<16xf32>
        %swap3A_1274 = arith.index_cast %scan3A_437 : i32 to index
        %swap3A_1275 = arith.constant 48 : index
        %swap3A_1276 = tpu.vector_load %arg19[%swap3A_1274, %swap3A_1275] {strides = array<i32>} : memref<64x128xf32, #tpu.memory_space<vmem>>, vector<1x16xf32>,
        %swap3A_1277 = vector.shape_cast %swap3A_1276 : vector<1x16xf32> to vector<16xf32>
        %swap3A_1278 = vector.shape_cast %get3A_1273 : vector<16xf32> to vector<1x16xf32>
        tpu.vector_store %arg19[%swap3A_1274, %swap3A_1275], %swap3A_1278 {strides = array<i32>} : memref<64x128xf32, #tpu.memory_space<vmem>>, vector<1x16xf32>,
        %get3A_1279 = arith.index_cast %scan3A_437 : i32 to index
        %get3A_1280 = arith.constant 0 : index
        %get3A_1281 = tpu.vector_load %arg17[%get3A_1279, %get3A_1280] {strides = array<i32>} : memref<64x32xf32, #tpu.memory_space<vmem>>, vector<1x16xf32>,
        %get3A_1282 = vector.shape_cast %get3A_1281 : vector<1x16xf32> to vector<16xf32>
        %swap3A_1283 = arith.index_cast %scan3A_437 : i32 to index
        %swap3A_1284 = arith.constant 64 : index
        %swap3A_1285 = tpu.vector_load %arg19[%swap3A_1283, %swap3A_1284] {strides = array<i32>} : memref<64x128xf32, #tpu.memory_space<vmem>>, vector<1x16xf32>,
        %swap3A_1286 = vector.shape_cast %swap3A_1285 : vector<1x16xf32> to vector<16xf32>
        %swap3A_1287 = vector.shape_cast %get3A_1282 : vector<16xf32> to vector<1x16xf32>
        tpu.vector_store %arg19[%swap3A_1283, %swap3A_1284], %swap3A_1287 {strides = array<i32>} : memref<64x128xf32, #tpu.memory_space<vmem>>, vector<1x16xf32>,
        %get3A_1288 = arith.index_cast %scan3A_437 : i32 to index
        %get3A_1289 = arith.constant 16 : index
        %get3A_1290 = tpu.vector_load %arg17[%get3A_1288, %get3A_1289] {strides = array<i32>} : memref<64x32xf32, #tpu.memory_space<vmem>>, vector<1x16xf32>,
        %get3A_1291 = vector.shape_cast %get3A_1290 : vector<1x16xf32> to vector<16xf32>
        %swap3A_1292 = arith.index_cast %scan3A_437 : i32 to index
        %swap3A_1293 = arith.constant 80 : index
        %swap3A_1294 = tpu.vector_load %arg19[%swap3A_1292, %swap3A_1293] {strides = array<i32>} : memref<64x128xf32, #tpu.memory_space<vmem>>, vector<1x16xf32>,
        %swap3A_1295 = vector.shape_cast %swap3A_1294 : vector<1x16xf32> to vector<16xf32>
        %swap3A_1296 = vector.shape_cast %get3A_1291 : vector<16xf32> to vector<1x16xf32>
        tpu.vector_store %arg19[%swap3A_1292, %swap3A_1293], %swap3A_1296 {strides = array<i32>} : memref<64x128xf32, #tpu.memory_space<vmem>>, vector<1x16xf32>,
        %get3A_1297 = arith.index_cast %scan3A_437 : i32 to index
        %get3A_1298 = arith.constant 0 : index
        %get3A_1299 = tpu.vector_load %arg18[%get3A_1297, %get3A_1298] {strides = array<i32>} : memref<64x32xf32, #tpu.memory_space<vmem>>, vector<1x16xf32>,
        %get3A_1300 = vector.shape_cast %get3A_1299 : vector<1x16xf32> to vector<16xf32>
        %swap3A_1301 = arith.index_cast %scan3A_437 : i32 to index
        %swap3A_1302 = arith.constant 96 : index
        %swap3A_1303 = tpu.vector_load %arg19[%swap3A_1301, %swap3A_1302] {strides = array<i32>} : memref<64x128xf32, #tpu.memory_space<vmem>>, vector<1x16xf32>,
        %swap3A_1304 = vector.shape_cast %swap3A_1303 : vector<1x16xf32> to vector<16xf32>
        %swap3A_1305 = vector.shape_cast %get3A_1300 : vector<16xf32> to vector<1x16xf32>
        tpu.vector_store %arg19[%swap3A_1301, %swap3A_1302], %swap3A_1305 {strides = array<i32>} : memref<64x128xf32, #tpu.memory_space<vmem>>, vector<1x16xf32>,
        %get3A_1306 = arith.index_cast %scan3A_437 : i32 to index
        %get3A_1307 = arith.constant 16 : index
        %get3A_1308 = tpu.vector_load %arg18[%get3A_1306, %get3A_1307] {strides = array<i32>} : memref<64x32xf32, #tpu.memory_space<vmem>>, vector<1x16xf32>,
        %get3A_1309 = vector.shape_cast %get3A_1308 : vector<1x16xf32> to vector<16xf32>
        %swap3A_1310 = arith.index_cast %scan3A_437 : i32 to index
        %swap3A_1311 = arith.constant 112 : index
        %swap3A_1312 = tpu.vector_load %arg19[%swap3A_1310, %swap3A_1311] {strides = array<i32>} : memref<64x128xf32, #tpu.memory_space<vmem>>, vector<1x16xf32>,
        %swap3A_1313 = vector.shape_cast %swap3A_1312 : vector<1x16xf32> to vector<16xf32>
        %swap3A_1314 = vector.shape_cast %get3A_1309 : vector<16xf32> to vector<1x16xf32>
        tpu.vector_store %arg19[%swap3A_1310, %swap3A_1311], %swap3A_1314 {strides = array<i32>} : memref<64x128xf32, #tpu.memory_space<vmem>>, vector<1x16xf32>,
      }
      %scan3A_436 = arith.constant 64 : i32
      "tpu.region"() ({
        %run_scoped3A = tpu.sem_alloc : memref<!tpu.dma_semaphore, #tpu.memory_space<semaphore_mem>>
        %dma_start3A_437 = arith.constant 0 : i32
        %dma_start3A_438 = tpu.memref_slice %arg10[%add3A_12, %dma_start3A_437] : memref<16384x128xf32, #tpu.memory_space<hbm>> -> memref<64x128xf32, #tpu.memory_space<hbm>>
        %dma_start3A_439 = arith.constant 0 : i32
        %dma_start3A_440 = tpu.memref_slice %arg10[%add3A_12, %dma_start3A_439] : memref<16384x128xf32, #tpu.memory_space<hbm>> -> memref<64x128xf32, #tpu.memory_space<hbm>>
        tpu.enqueue_dma source(%arg19 : memref<64x128xf32, #tpu.memory_space<vmem>>) target(%dma_start3A_440 : memref<64x128xf32, #tpu.memory_space<hbm>>) target_semaphore(%run_scoped3A : memref<!tpu.dma_semaphore, #tpu.memory_space<semaphore_mem>>)
        %dma_wait3A_441 = arith.constant 0 : i32
        %dma_wait3A_442 = tpu.memref_slice %arg10[%add3A_12, %dma_wait3A_441] : memref<16384x128xf32, #tpu.memory_space<hbm>> -> memref<64x128xf32, #tpu.memory_space<hbm>>
        %dma_wait3A_443 = arith.constant 0 : i32
        %dma_wait3A_444 = tpu.memref_slice %arg10[%add3A_12, %dma_wait3A_443] : memref<16384x128xf32, #tpu.memory_space<hbm>> -> memref<64x128xf32, #tpu.memory_space<hbm>>
        tpu.wait_dma2 semaphore(%run_scoped3A : memref<!tpu.dma_semaphore, #tpu.memory_space<semaphore_mem>>) src(%arg19 : memref<64x128xf32, #tpu.memory_space<vmem>>) dst(%dma_wait3A_444 : memref<64x128xf32, #tpu.memory_space<hbm>>)
        tpu.yield
      }) : () -> ()
    }
    %scan3A_8 = arith.constant 8 : i32
    return
  }
}

</mosaic_0001>

<sc_bundles>
// kernel: kernel.3.cloned.1.call-start
scs
__scs_entry_jumppad:
0x0: {  	(pc) =	sbr.rel $0x88, $3  }
0x1: {  	(tag) =	ssettag $0x0;
	lr =	simm.s32 $0x1  }
0x2: {  	[smem:$0x3F99] =	sst lr;
	_ =	strace $0xD0000000  }
0x3: {  	_ = 	snop  }
0x4: {  	_ = 	snop  }
0x5: {  	_ = 	snop  }
0x6: {  	_ = 	snop  }
0x7: {  	_ = 	snop  }
__scs_overlays_trampoline_lowered:
0x8: {  	[smem:$0x3FA8] =	sst s0  }
0x9: {  	[smem:$0x3FA9] =	sst s1  }
0xa: {  	[smem:$0x3FAA] =	sst s2  }
0xb: {  	[smem:$0x3FAB] =	sst s3  }
0xc: {  	[smem:$0x3FAC] =	sst s4  }
0xd: {  	[smem:$0x3FAD] =	sst s5  }
0xe: {  	[smem:$0x3FAE] =	sst s6  }
0xf: {  	[smem:$0x3FAF] =	sst s7  }
0x10: {  	[smem:$0x3FB0] =	sst s8  }
0x11: {  	[smem:$0x3FB1] =	sst s9;
	s0 =	simm.s32 @!p0 $0x0  }
0x12: {  	s1 =	sld [smem:$0x3F97];
	s0 =	simm.s32 @p0 $0x1  }
0x13: {  	[smem:$0x3FB2] =	sst s0;
	s0 =	simm.s32 @!p1 $0x0  }
0x14: {  	s2 =	sld [smem:$0x3F96];
	s0 =	simm.s32 @p1 $0x1  }
0x15: {  	[smem:$0x3FB3] =	sst s0;
	s0 =	simm.s32 @!p2 $0x0  }
0x16: {  	s3 =	sld [smem:$0x3FDB];
	s0 =	simm.s32 @p2 $0x1  }
0x17: {  	s4 =	simm.s32 $0x1BF5;
	[smem:$0x3FB5] =	sst s0  }
0x18: {  	s0 =	sld [smem:$0x3F98];
	_ =	swait.ge [sflag:s4], $0x0  }
0x19: {  	s7 =	sld [smem:$0x3F99]  }
0x1a: {  	s8 =	sadd.s32 $0xFFFFE003, lr  }
0x1b: {  	s9 =	sadd.s32 $0xFFFFFEF7, lr;
	s5 =	simm.s32 $0xFFFFFFFF;
	p2 =	slt.u32 s8, $0xFFFFF086  }
0x1c: {  	p1 =	slt.u32 s9, $0xF7A;
	s5 =	simm.s32 @!p2 $0x0  }
0x1d: {  	s5 =	simm.s32 @p1 $0x1;
	p0 =	seq.s32 s7, s2  }
0x1e: {  	s7 =	smul.u32 @!p0 $0xF7A, s2;
	p2 =	seq.s32 @!p0 s5, $0x0  }
0x1f: {  	s9 =	smul.u32 $0xF7A, s1;
	s8 =	simm.s32 @!p0 $0x1BF5;
	p2 =	por !p2, p0  }
0x20: {  	[sflag:s8] =	ssyncset.s32 @!p0 $0xFFFFF086;
	s6 =	sadd.s32 @!p0 s3, s7;
	s7 =	simm.s32 @!p0 $0x108  }
0x21: {  	s3 =	sadd.s32 s3, s9;
	s6 =	sadd.s32 @!p0 $0x88, s6;
	s7 =	simm.s32 @p2 $0x1082  }
0x22: {  	[simem:s7], [sflag:s8] =	dma.local @!p0 [hbm:s6], $0xF7A  }
0x23: {  	s9 =	sor.u32 $0xD0000000, s2;
	s6 =	simm.s32 $0x108;
	_ =	swait.ge @!p0 [sflag:s8], $0x0  }
0x24: {  	s3 =	sadd.s32 $0x88, s3;
	s6 =	simm.s32 @!p1 $0x1082;
	[sflag:s4] =	ssyncset.s32 $0xFFFFF086  }
0x25: {  	[simem:s6], [sflag:s4] =	dma.local [hbm:s3], $0xF7A  }
0x26: {  	[smem:$0x3F99] =	sst s1;
	(tag) =	ssettag s2;
	_ =	strace s9  }
0x27: {  	s1 =	sld [smem:$0x3FA9]  }
0x28: {  	s2 =	sld [smem:$0x3FAA]  }
0x29: {  	s4 =	sld [smem:$0x3FAC]  }
0x2a: {  	p0 =	seq.s32 s5, $0x0;
	s5 =	sld [smem:$0x3FAD]  }
0x2b: {  	s6 =	sld [smem:$0x3FAE]  }
0x2c: {  	s7 =	sld [smem:$0x3FAF]  }
0x2d: {  	s3 =	simm.s32 $0x108;
	s8 =	sld [smem:$0x3FB0]  }
0x2e: {  	s3 =	simm.s32 @!p0 $0x1082;
	s9 =	sld [smem:$0x3FB1]  }
0x2f: {  	lr =	sadd.s32 s0, s3;
	s0 =	sld [smem:$0x3FA8]  }
0x30: {  	s3 =	sld [smem:$0x3FAB]  }
0x31: {  	[smem:$0x3FB4] =	sst s10  }
0x32: {  	s10 =	sld [smem:$0x3FB2];
	_ =	sdelay $0x3  }
0x33: {  	p0 =	seq.s32 s10, $0x1;
	s10 =	sld [smem:$0x3FB4];
	_ =	sdelay $0x3  }
0x34: {  	[smem:$0x3FB4] =	sst s10  }
0x35: {  	s10 =	sld [smem:$0x3FB3];
	_ =	sdelay $0x3  }
0x36: {  	p1 =	seq.s32 s10, $0x1;
	s10 =	sld [smem:$0x3FB4];
	_ =	sdelay $0x3  }
0x37: {  	[smem:$0x3FB4] =	sst s10  }
0x38: {  	s10 =	sld [smem:$0x3FB5]  }
0x39: {  	_ = 	snop;
	(pc) =	sbr.ind lr, $3  }
0x3a: {  	_ = 	snop  }
0x3b: {  	_ = 	snop  }
0x3c: {  	p2 =	seq.s32 s10, $0x1;
	s10 =	sld [smem:$0x3FB4]  }
0x3d: {  	_ =	shalt  }
0x3e: {  	_ =	shalt  }
0x3f: {  	_ =	shalt  }
0x40: {  	_ =	shalt  }
0x41: {  	_ =	shalt  }
0x42: {  	_ =	shalt  }
0x43: {  	_ =	shalt  }
0x44: {  	_ =	shalt  }
0x45: {  	_ =	shalt  }
0x46: {  	_ =	shalt  }
0x47: {  	_ =	shalt  }
0x48: {  	_ =	shalt  }
0x49: {  	_ =	shalt  }
0x4a: {  	_ =	shalt  }
0x4b: {  	_ =	shalt  }
0x4c: {  	_ =	shalt  }
0x4d: {  	_ =	shalt  }
0x4e: {  	_ =	shalt  }
0x4f: {  	_ =	shalt  }
0x50: {  	_ =	shalt  }
0x51: {  	_ =	shalt  }
0x52: {  	_ =	shalt  }
0x53: {  	_ =	shalt  }
0x54: {  	_ =	shalt  }
0x55: {  	_ =	shalt  }
0x56: {  	_ =	shalt  }
0x57: {  	_ =	shalt  }
0x58: {  	_ =	shalt  }
0x59: {  	_ =	shalt  }
0x5a: {  	_ =	shalt  }
0x5b: {  	_ =	shalt  }
0x5c: {  	_ =	shalt  }
0x5d: {  	_ =	shalt  }
0x5e: {  	_ =	shalt  }
0x5f: {  	_ =	shalt  }
0x60: {  	_ =	shalt  }
0x61: {  	_ =	shalt  }
0x62: {  	_ =	shalt  }
0x63: {  	_ =	shalt  }
0x64: {  	_ =	shalt  }
0x65: {  	_ =	shalt  }
0x66: {  	_ =	shalt  }
0x67: {  	_ =	shalt  }
0x68: {  	_ =	shalt  }
0x69: {  	_ =	shalt  }
0x6a: {  	_ =	shalt  }
0x6b: {  	_ =	shalt  }
0x6c: {  	_ =	shalt  }
0x6d: {  	_ =	shalt  }
0x6e: {  	_ =	shalt  }
0x6f: {  	_ =	shalt  }
0x70: {  	_ =	shalt  }
0x71: {  	_ =	shalt  }
0x72: {  	_ =	shalt  }
0x73: {  	_ =	shalt  }
0x74: {  	_ =	shalt  }
0x75: {  	_ =	shalt  }
0x76: {  	_ =	shalt  }
0x77: {  	_ =	shalt  }
0x78: {  	_ =	shalt  }
0x79: {  	_ =	shalt  }
0x7a: {  	_ =	shalt  }
0x7b: {  	_ =	shalt  }
0x7c: {  	_ =	shalt  }
0x7d: {  	_ =	shalt  }
0x7e: {  	_ =	shalt  }
0x7f: {  	_ =	shalt  }
0x80: {  	_ =	shalt  }
0x81: {  	_ =	shalt  }
0x82: {  	_ =	shalt  }
0x83: {  	_ =	shalt  }
0x84: {  	_ =	shalt  }
0x85: {  	_ =	shalt  }
0x86: {  	_ =	shalt  }
0x87: {  	_ =	shalt  }
.Lfunc_end0:
.L_simem_size_0:
called_computation_lowered:
.L_overlay_start_0:
0x88: {  	s2 =	sld [smem:$0x3FD9]  }
0x89: {  	s3 =	sld [smem:$0x3FFE];
	_ =	sdelay $0x1  }
0x8a: {  	s1 =	srdreg.scid  }
0x8b: {  	s0 =	sand.u32 $0x1, s1  }
0x8c: {  	s17 =	sshll.u32 s0, $0xA;
	s2 =	sadd.s32 s3, s2  }
0x8d: {  	s2 =	sadd.s32 s2, s17  }
0x8e: {  	[smem:$0x3FC0] =	sst s2  }
0x8f: {  	_ = 	snop  }
0x90: {  	s2 =	sld [smem:$0x3FC9]  }
0x91: {  	s18 =	sld [smem:$0x3FC8]  }
0x92: {  	s4 =	sld [smem:$0x3FC7]  }
0x93: {  	s5 =	sld [smem:$0x3FD0];
	(tm) =	ssettm $0x1  }
0x94: {  	s6 =	sld [smem:$0x3FFB];
	_ =	sdelay $0x3  }
0x95: {  	_ =	strace s6  }
0x96: {  	s6 =	sld [smem:$0x3FFC];
	_ =	sdelay $0x3  }
0x97: {  	_ =	strace s6  }
0x98: {  	s6 =	sld [smem:$0x3FFD];
	_ =	sdelay $0x3  }
0x99: {  	_ =	strace s6  }
0x9a: {  	_ =	strace $0x8FFFFFFF  }
0x9b: {  	s19 =	sld [smem:$0x3FDB];
	_ =	sdelay $0x1  }
0x9c: {  	s7 =	simm.s32 $_scs_section_size  }
0x9d: {  	s8 =	simm.s32 $_size__tile_overlayer_lowered;
	s9 =	simm.s32 $_tile_overlayer_lowered  }
0x9e: {  	s22 =	simm.s32 $0x1BFF;
	s21 =	sshll.u32 s9, $0x1;
	s6 =	sadd.s32 s7, s19  }
0x9f: {  	s10 =	simm.s32 $0x0;
	s20 =	sshll.u32 s8, $0x1;
	s8 =	sadd.s32 s21, s6  }
0xa0: {  	[timem:s10], [sflag:s22] =	dma.local [hbm:s8], s20  }
0xa1: {  	_ =	swait.ge [sflag:s22], s20  }
0xa2: {  	s7 =	ssub.s32 $0x0, s20;
	[sflag:s22] =	ssyncset.done $0x0  }
0xa3: {  	[sflag:s22] =	ssyncadd.s32 s7;
	_ =	sdelay $0x1  }
0xa4: {  	s23 =	simm.s32 $0x1B8B  }
0xa5: {  	_ =	swait.ge [sflag:s23], $0x1  }
0xa6: {  	[sflag:s23] =	ssyncset.done $0x0  }
0xa7: {  	s25 =	simm.s32 $0x1B8E;
	s24 =	sld [smem:$0x3FFE];
	[sflag:s23] =	ssyncadd.s32 $0xFFFFFFFF  }
0xa8: {  	s26 =	simm.s32 $execute0_lowered;
	[smem:$0x3FD2] =	sst s25  }
0xa9: {  	s8 =	sshll.u32 s26, $0x1;
	_ =	strace $0x80000046;
	[dreg:$0x1] =	wrdreg $0xFFFFFFFF  }
0xaa: {  	s28 =	simm.s32 $_size_execute0_lowered;
	s6 =	sadd.s32 s6, s8;
	[dreg:$0x0] =	wrdreg $0x0  }
0xab: {  	s8 =	sshll.u32 s28, $0x1;
	[dreg:$0x2] =	wrdreg s6  }
0xac: {  	[dreg:$0x3] =	wrdreg s8  }
0xad: {  	[dreg:$0x4] =	wrdreg $0xC0  }
0xae: {  	_ =	task [dreg:s10], $0x5FFFF  }
0xaf: {  	[dreg:$0x1] =	wrdreg $0xFFFFFFFF  }
0xb0: {  	[dreg:$0x0] =	wrdreg $0x60  }
0xb1: {  	[dreg:$0x2] =	wrdreg s24  }
0xb2: {  	[dreg:$0x3] =	wrdreg s2  }
0xb3: {  	[dreg:$0x4] =	wrdreg s18  }
0xb4: {  	[dreg:$0x5] =	wrdreg s4  }
0xb5: {  	[dreg:$0x6] =	wrdreg s5  }
0xb6: {  	[dreg:$0x7] =	wrdreg $0x9  }
0xb7: {  	_ =	task.clear_ibuf [dreg:s10], $0x8FFFF;
	_ =	strace $0x90000046  }
0xb8: {  	s29 =	simm.s32 $0x9;
	_ =	strace $0x80000048  }
0xb9: {  	_ =	swait.ge [sflag:s29], $0x1  }
0xba: {  	[sflag:s29] =	ssyncadd.s32 $0xFFFFFFFF  }
0xbb: {  	_ =	strace $0x90000048  }
0xbc: {  	_ =	sfence  }
0xbd: {  	s30 =	sld [smem:$0x0];
	_ =	sdelay $0x2  }
0xbe: {  	s31 =	sshll.u32 s1, $0xD;
	s1 =	sshrl.u32 s1, $0x2  }
0xbf: {  	s3 =	sand.u32 $0x4000, s31;
	s1 =	sadd.s32 s1, s30  }
0xc0: {  	s0 =	sor.u32 s3, s0;
	s1 =	sshll.u32 s1, $0x11  }
0xc1: {  	s0 =	sor.u32 s1, s0  }
0xc2: {  	s0 =	sadd.s32 $0x8F2B, s0  }
0xc3: {  	[sflag:s0] =	ssyncadd.remote.s32 $0x1  }
0xc4: {  	_ =	sfence.sel $0xFFFF  }
0xc5: {  	[dreg:$0x0] =	wrdreg $0xFFFFFFFF;
	(pc) =	sbr.abs _section_cstart, $3  }
0xc6: {  	[dreg:$0x1] =	wrdreg $0xFFFFFFFF  }
0xc7: {  	_ =	task.clear_ibuf [dreg:s10], $0x2FFFF;
	_ =	strace $0x9FFFFFFF  }
0xc8: {  	(tm) =	ssettm $0x7FFFFFFF  }
0xc9: {  	_ =	shalt  }
tec
execute0_lowered:
.L_overlay_start_1:
0x0: {  	(tag) =	ssettag $0x1  }
0x1: {  	s0 =	rddreg [dreg:$0x0]  }
0x2: {  	s1 =	simm.s32 $0x0;
	s24 =	srdreg.scid;
	s4 =	stileid.u32  }
0x3: {  	s14 =	simm.s32 $0x2;
	s15 =	simm.s32 $0xC80;
	s16 =	simm.s32 $0xCC0  }
0x4: {  	s17 =	simm.s32 $0xD00;
	s18 =	simm.s32 $0x80;
	s19 =	simm.s32 $0xA80  }
0x5: {  	s20 =	simm.s32 $0x15D40;
	s21 =	simm.s32 $0xB00;
	s22 =	simm.s32 $0x16D40  }
0x6: {  	s23 =	simm.s32 $0xB80;
	s28 =	simm.s32 $0x40;
	s29 =	simm.s32 $0x19D40  }
0x7: {  	s30 =	simm.s32 $0x1A540;
	s31 =	simm.s32 $0x1AD40;
	s7 =	simm.s32 $0x1B540  }
0x8: {  	[smem:$0x7FF] =	sst s1;
	s6 =	sadd.s32 $0x800, s0;
	s8 =	sadd.s32 $0x16E4000, s0  }
0x9: {  	s1 =	sand.u32 $0x1, s24;
	s9 =	sadd.s32 $0x1313600, s0;
	s10 =	sadd.s32 $0xF42C00, s0  }
0xa: {  	s25 =	sshll.u32 s4, $0xA;
	s11 =	sadd.s32 $0x187200, s0;
	s2 =	ssub.s32 $0x2, s1  }
0xb: {  	s24 =	simm.s32 $0x17D40;
	s0 =	simm.s32 $0x1;
	s3 =	sshrl.u32 s2, $0x1  }
0xc: {  	_ =	strace $0x80000047;
	s1 =	sshll.u32 s1, $0x9;
	s2 =	ssub.s32 s2, s3  }
0xd: {  	s12 =	sor.u32 s1, s25;
	s25 =	simm.s32 $0xC00;
	s26 =	smax.u32 s2, $0x1  }
0xe: {  	s2 =	simm.s32 $0x0;
	[dreg:$0x6] =	wrdreg s26;
	s26 =	simm.s32 $0x18D40  }
.LBB2_1:
0xf: {  	[dreg:$0x7] =	wrdreg s2;
	s13 =	simm.s32 $0x0  }
.LBB2_2:
0x10: {  	s1 =	sshll.u32 s13, $0x6  }
0x11: {  	s1 =	sadd.s32 s12, s1  }
0x12: {  	s2 =	smul.u32 $0x32, s1;
	_ =	sdelay $0x1  }
0x13: {  	s2 =	sshrl.u32 s2, $0x3  }
0x14: {  	s3 =	sadd.s32 s6, s2;
	s2 =	simm.s32 $0x0  }
0x15: {  	[tilespmem:s2], [sflag:$0x2] =	stream.linear.gather [hbm4b:s3+s2], $0xC80, $0x38;
	[tilespmem:$0x1D540] =	vst v63  }
0x16: {  	_ =	swait.ge [sflag:s14], $0xC80  }
0x17: {  	[sflag:s14] =	ssyncset.done $0x0  }
0x18: {  	[sflag:s14] =	ssyncadd.s32 $0xFFFFF380  }
0x19: {  	s3 =	sshrl.u32 s1, $0x3;
	s4 =	rddreg [dreg:$0x1]  }
0x1a: {  	s4 =	sadd.s32 s4, s3  }
0x1b: {  	[tilespmem:s15], [sflag:$0x2] =	stream.linear.gather [hbm4b:s4+s2], $0x40, $0x38;
	[tilespmem:$0x1D540] =	vst v63  }
0x1c: {  	_ =	swait.ge [sflag:s14], $0x40  }
0x1d: {  	[sflag:s14] =	ssyncset.done $0x0  }
0x1e: {  	[sflag:s14] =	ssyncadd.s32 $0xFFFFFFC0  }
0x1f: {  	s5 =	rddreg [dreg:$0x2]  }
0x20: {  	s4 =	sadd.s32 s5, s3  }
0x21: {  	[tilespmem:s16], [sflag:$0x2] =	stream.linear.gather [hbm4b:s4+s2], $0x40, $0x38;
	[tilespmem:$0x1D540] =	vst v63  }
0x22: {  	_ =	swait.ge [sflag:s14], $0x40  }
0x23: {  	[sflag:s14] =	ssyncset.done $0x0  }
0x24: {  	[sflag:s14] =	ssyncadd.s32 $0xFFFFFFC0  }
0x25: {  	s5 =	rddreg [dreg:$0x3]  }
0x26: {  	s3 =	sadd.s32 s5, s3  }
0x27: {  	[tilespmem:s17], [sflag:$0x2] =	stream.linear.gather [hbm4b:s3+s2], $0x40, $0x38;
	[tilespmem:$0x1D540] =	vst v63  }
0x28: {  	_ =	swait.ge [sflag:s14], $0x40  }
0x29: {  	[sflag:s14] =	ssyncset.done $0x0  }
0x2a: {  	s4 =	simm.s32 $0xD40;
	[sflag:s14] =	ssyncadd.s32 $0xFFFFFFC0  }
0x2b: {  	[tilespmem:s4], [sflag:$0x1] =	stream.indirect.gather [hbm4b:s8+s18], $0x20, s2, s18, $0xb8;
	[tilespmem:$0x1D540] =	vst v63  }
0x2c: {  	s5 =	simm.s32 $0x1D40  }
0x2d: {  	[tilespmem:s5], [sflag:$0x1] =	stream.indirect.gather [hbm4b:s8+s18], $0x20, s18, s18, $0xb8;
	[tilespmem:$0x1D540] =	vst v63  }
0x2e: {  	s4 =	simm.s32 $0x100;
	s5 =	simm.s32 $0x2D40  }
0x2f: {  	[tilespmem:s5], [sflag:$0x1] =	stream.indirect.gather [hbm4b:s8+s18], $0x20, s4, s18, $0xb8;
	[tilespmem:$0x1D540] =	vst v63  }
0x30: {  	s4 =	simm.s32 $0x180;
	s5 =	simm.s32 $0x3D40  }
0x31: {  	[tilespmem:s5], [sflag:$0x1] =	stream.indirect.gather [hbm4b:s8+s18], $0x20, s4, s18, $0xb8;
	[tilespmem:$0x1D540] =	vst v63  }
0x32: {  	s4 =	simm.s32 $0x200;
	s5 =	simm.s32 $0x4D40  }
0x33: {  	[tilespmem:s5], [sflag:$0x1] =	stream.indirect.gather [hbm4b:s8+s18], $0x20, s4, s18, $0xb8;
	[tilespmem:$0x1D540] =	vst v63  }
0x34: {  	s4 =	simm.s32 $0x280;
	s5 =	simm.s32 $0x5D40  }
0x35: {  	[tilespmem:s5], [sflag:$0x1] =	stream.indirect.gather [hbm4b:s8+s18], $0x20, s4, s18, $0xb8;
	[tilespmem:$0x1D540] =	vst v63  }
0x36: {  	s4 =	simm.s32 $0x300;
	s5 =	simm.s32 $0x6D40  }
0x37: {  	[tilespmem:s5], [sflag:$0x1] =	stream.indirect.gather [hbm4b:s8+s18], $0x20, s4, s18, $0xb8;
	[tilespmem:$0x1D540] =	vst v63  }
0x38: {  	s4 =	simm.s32 $0x380;
	s5 =	simm.s32 $0x7D40  }
0x39: {  	[tilespmem:s5], [sflag:$0x1] =	stream.indirect.gather [hbm4b:s8+s18], $0x20, s4, s18, $0xb8;
	[tilespmem:$0x1D540] =	vst v63  }
0x3a: {  	s4 =	simm.s32 $0x400;
	s5 =	simm.s32 $0x8D40  }
0x3b: {  	[tilespmem:s5], [sflag:$0x1] =	stream.indirect.gather [hbm4b:s8+s18], $0x20, s4, s18, $0xb8;
	[tilespmem:$0x1D540] =	vst v63  }
0x3c: {  	s4 =	simm.s32 $0x480;
	s5 =	simm.s32 $0x9D40  }
0x3d: {  	[tilespmem:s5], [sflag:$0x1] =	stream.indirect.gather [hbm4b:s8+s18], $0x20, s4, s18, $0xb8;
	[tilespmem:$0x1D540] =	vst v63  }
0x3e: {  	s4 =	simm.s32 $0x500;
	s5 =	simm.s32 $0xAD40  }
0x3f: {  	[tilespmem:s5], [sflag:$0x1] =	stream.indirect.gather [hbm4b:s8+s18], $0x20, s4, s18, $0xb8;
	[tilespmem:$0x1D540] =	vst v63  }
0x40: {  	s4 =	simm.s32 $0x580;
	s5 =	simm.s32 $0xBD40  }
0x41: {  	[tilespmem:s5], [sflag:$0x1] =	stream.indirect.gather [hbm4b:s8+s18], $0x20, s4, s18, $0xb8;
	[tilespmem:$0x1D540] =	vst v63  }
0x42: {  	s4 =	simm.s32 $0x600;
	s5 =	simm.s32 $0xCD40  }
0x43: {  	[tilespmem:s5], [sflag:$0x1] =	stream.indirect.gather [hbm4b:s8+s18], $0x20, s4, s18, $0xb8;
	[tilespmem:$0x1D540] =	vst v63  }
0x44: {  	s4 =	simm.s32 $0x680;
	s5 =	simm.s32 $0xDD40  }
0x45: {  	[tilespmem:s5], [sflag:$0x1] =	stream.indirect.gather [hbm4b:s8+s18], $0x20, s4, s18, $0xb8;
	[tilespmem:$0x1D540] =	vst v63  }
0x46: {  	s4 =	simm.s32 $0x700;
	s5 =	simm.s32 $0xED40  }
0x47: {  	[tilespmem:s5], [sflag:$0x1] =	stream.indirect.gather [hbm4b:s8+s18], $0x20, s4, s18, $0xb8;
	[tilespmem:$0x1D540] =	vst v63  }
0x48: {  	s4 =	simm.s32 $0x780;
	s5 =	simm.s32 $0xFD40  }
0x49: {  	[tilespmem:s5], [sflag:$0x1] =	stream.indirect.gather [hbm4b:s8+s18], $0x20, s4, s18, $0xb8;
	[tilespmem:$0x1D540] =	vst v63  }
0x4a: {  	s4 =	simm.s32 $0x800;
	s5 =	simm.s32 $0x10D40  }
0x4b: {  	[tilespmem:s5], [sflag:$0x1] =	stream.indirect.gather [hbm4b:s8+s18], $0x20, s4, s18, $0xb8;
	[tilespmem:$0x1D540] =	vst v63  }
0x4c: {  	s4 =	simm.s32 $0x880;
	s5 =	simm.s32 $0x11D40  }
0x4d: {  	[tilespmem:s5], [sflag:$0x1] =	stream.indirect.gather [hbm4b:s8+s18], $0x20, s4, s18, $0xb8;
	[tilespmem:$0x1D540] =	vst v63  }
0x4e: {  	s4 =	simm.s32 $0x900;
	s5 =	simm.s32 $0x12D40  }
0x4f: {  	[tilespmem:s5], [sflag:$0x1] =	stream.indirect.gather [hbm4b:s8+s18], $0x20, s4, s18, $0xb8;
	[tilespmem:$0x1D540] =	vst v63  }
0x50: {  	s4 =	simm.s32 $0x980;
	s5 =	simm.s32 $0x13D40  }
0x51: {  	[tilespmem:s5], [sflag:$0x1] =	stream.indirect.gather [hbm4b:s8+s18], $0x20, s4, s18, $0xb8;
	[tilespmem:$0x1D540] =	vst v63  }
0x52: {  	s4 =	simm.s32 $0xA00;
	s5 =	simm.s32 $0x14D40  }
0x53: {  	[tilespmem:s5], [sflag:$0x1] =	stream.indirect.gather [hbm4b:s8+s18], $0x20, s4, s18, $0xb8;
	[tilespmem:$0x1D540] =	vst v63  }
0x54: {  	_ = 	snop  }
0x55: {  	[tilespmem:s20], [sflag:$0x1] =	stream.indirect.gather [hbm4b:s8+s18], $0x20, s19, s18, $0xb8;
	[tilespmem:$0x1D540] =	vst v63  }
0x56: {  	_ = 	snop  }
0x57: {  	[tilespmem:s22], [sflag:$0x1] =	stream.indirect.gather [hbm4b:s8+s18], $0x20, s21, s18, $0xb8;
	[tilespmem:$0x1D540] =	vst v63  }
0x58: {  	_ = 	snop  }
0x59: {  	[tilespmem:s24], [sflag:$0x1] =	stream.indirect.gather [hbm4b:s8+s18], $0x20, s23, s18, $0xb8;
	[tilespmem:$0x1D540] =	vst v63  }
0x5a: {  	_ = 	snop  }
0x5b: {  	[tilespmem:s26], [sflag:$0x1] =	stream.indirect.gather [hbm4b:s8+s18], $0x20, s25, s18, $0xb8;
	[tilespmem:$0x1D540] =	vst v63  }
0x5c: {  	_ = 	snop  }
0x5d: {  	[tilespmem:s29], [sflag:$0x1] =	stream.indirect.gather [hbm4b:s9+s28], $0x20, s15, s28, $0xb8;
	[tilespmem:$0x1D540] =	vst v63  }
0x5e: {  	_ = 	snop  }
0x5f: {  	[tilespmem:s30], [sflag:$0x1] =	stream.indirect.gather [hbm4b:s10+s28], $0x20, s16, s28, $0xb8;
	[tilespmem:$0x1D540] =	vst v63  }
0x60: {  	_ = 	snop  }
0x61: {  	[tilespmem:s31], [sflag:$0x1] =	stream.indirect.gather [hbm4b:s11+s28], $0x20, s17, s28, $0xb8;
	[tilespmem:$0x1D540] =	vst v63  }
0x62: {  	_ =	swait.ge [sflag:s0], $0x1000  }
0x63: {  	[sflag:s0] =	ssyncset.done $0x0  }
0x64: {  	[sflag:s0] =	ssyncadd.s32 $0xFFFFF000  }
0x65: {  	_ =	swait.ge [sflag:s0], $0x1000  }
0x66: {  	[sflag:s0] =	ssyncset.done $0x0  }
0x67: {  	[sflag:s0] =	ssyncadd.s32 $0xFFFFF000  }
0x68: {  	_ =	swait.ge [sflag:s0], $0x1000  }
0x69: {  	[sflag:s0] =	ssyncset.done $0x0  }
0x6a: {  	[sflag:s0] =	ssyncadd.s32 $0xFFFFF000  }
0x6b: {  	_ =	swait.ge [sflag:s0], $0x1000  }
0x6c: {  	[sflag:s0] =	ssyncset.done $0x0  }
0x6d: {  	[sflag:s0] =	ssyncadd.s32 $0xFFFFF000  }
0x6e: {  	_ =	swait.ge [sflag:s0], $0x1000  }
0x6f: {  	[sflag:s0] =	ssyncset.done $0x0  }
0x70: {  	[sflag:s0] =	ssyncadd.s32 $0xFFFFF000  }
0x71: {  	_ =	swait.ge [sflag:s0], $0x1000  }
0x72: {  	[sflag:s0] =	ssyncset.done $0x0  }
0x73: {  	[sflag:s0] =	ssyncadd.s32 $0xFFFFF000  }
0x74: {  	_ =	swait.ge [sflag:s0], $0x1000  }
0x75: {  	[sflag:s0] =	ssyncset.done $0x0  }
0x76: {  	[sflag:s0] =	ssyncadd.s32 $0xFFFFF000  }
0x77: {  	_ =	swait.ge [sflag:s0], $0x1000  }
0x78: {  	[sflag:s0] =	ssyncset.done $0x0  }
0x79: {  	[sflag:s0] =	ssyncadd.s32 $0xFFFFF000  }
0x7a: {  	_ =	swait.ge [sflag:s0], $0x1000  }
0x7b: {  	[sflag:s0] =	ssyncset.done $0x0  }
0x7c: {  	[sflag:s0] =	ssyncadd.s32 $0xFFFFF000  }
0x7d: {  	_ =	swait.ge [sflag:s0], $0x1000  }
0x7e: {  	[sflag:s0] =	ssyncset.done $0x0  }
0x7f: {  	[sflag:s0] =	ssyncadd.s32 $0xFFFFF000  }
0x80: {  	_ =	swait.ge [sflag:s0], $0x1000  }
0x81: {  	[sflag:s0] =	ssyncset.done $0x0  }
0x82: {  	[sflag:s0] =	ssyncadd.s32 $0xFFFFF000  }
0x83: {  	_ =	swait.ge [sflag:s0], $0x1000  }
0x84: {  	[sflag:s0] =	ssyncset.done $0x0  }
0x85: {  	[sflag:s0] =	ssyncadd.s32 $0xFFFFF000  }
0x86: {  	_ =	swait.ge [sflag:s0], $0x1000  }
0x87: {  	[sflag:s0] =	ssyncset.done $0x0  }
0x88: {  	[sflag:s0] =	ssyncadd.s32 $0xFFFFF000  }
0x89: {  	_ =	swait.ge [sflag:s0], $0x1000  }
0x8a: {  	[sflag:s0] =	ssyncset.done $0x0  }
0x8b: {  	[sflag:s0] =	ssyncadd.s32 $0xFFFFF000  }
0x8c: {  	_ =	swait.ge [sflag:s0], $0x1000  }
0x8d: {  	[sflag:s0] =	ssyncset.done $0x0  }
0x8e: {  	[sflag:s0] =	ssyncadd.s32 $0xFFFFF000  }
0x8f: {  	_ =	swait.ge [sflag:s0], $0x1000  }
0x90: {  	[sflag:s0] =	ssyncset.done $0x0  }
0x91: {  	[sflag:s0] =	ssyncadd.s32 $0xFFFFF000  }
0x92: {  	_ =	swait.ge [sflag:s0], $0x1000  }
0x93: {  	[sflag:s0] =	ssyncset.done $0x0  }
0x94: {  	[sflag:s0] =	ssyncadd.s32 $0xFFFFF000  }
0x95: {  	_ =	swait.ge [sflag:s0], $0x1000  }
0x96: {  	[sflag:s0] =	ssyncset.done $0x0  }
0x97: {  	[sflag:s0] =	ssyncadd.s32 $0xFFFFF000  }
0x98: {  	_ =	swait.ge [sflag:s0], $0x1000  }
0x99: {  	[sflag:s0] =	ssyncset.done $0x0  }
0x9a: {  	[sflag:s0] =	ssyncadd.s32 $0xFFFFF000  }
0x9b: {  	_ =	swait.ge [sflag:s0], $0x1000  }
0x9c: {  	[sflag:s0] =	ssyncset.done $0x0  }
0x9d: {  	[sflag:s0] =	ssyncadd.s32 $0xFFFFF000  }
0x9e: {  	_ =	swait.ge [sflag:s0], $0x1000  }
0x9f: {  	[sflag:s0] =	ssyncset.done $0x0  }
0xa0: {  	[sflag:s0] =	ssyncadd.s32 $0xFFFFF000  }
0xa1: {  	_ =	swait.ge [sflag:s0], $0x1000  }
0xa2: {  	[sflag:s0] =	ssyncset.done $0x0  }
0xa3: {  	[sflag:s0] =	ssyncadd.s32 $0xFFFFF000  }
0xa4: {  	_ =	swait.ge [sflag:s0], $0x1000  }
0xa5: {  	[sflag:s0] =	ssyncset.done $0x0  }
0xa6: {  	[sflag:s0] =	ssyncadd.s32 $0xFFFFF000  }
0xa7: {  	_ =	swait.ge [sflag:s0], $0x1000  }
0xa8: {  	[sflag:s0] =	ssyncset.done $0x0  }
0xa9: {  	[sflag:s0] =	ssyncadd.s32 $0xFFFFF000  }
0xaa: {  	_ =	swait.ge [sflag:s0], $0x1000  }
0xab: {  	[sflag:s0] =	ssyncset.done $0x0  }
0xac: {  	[sflag:s0] =	ssyncadd.s32 $0xFFFFF000  }
0xad: {  	_ =	swait.ge [sflag:s0], $0x800  }
0xae: {  	[sflag:s0] =	ssyncset.done $0x0  }
0xaf: {  	[sflag:s0] =	ssyncadd.s32 $0xFFFFF800  }
0xb0: {  	_ =	swait.ge [sflag:s0], $0x800  }
0xb1: {  	[sflag:s0] =	ssyncset.done $0x0  }
0xb2: {  	[sflag:s0] =	ssyncadd.s32 $0xFFFFF800  }
0xb3: {  	_ =	swait.ge [sflag:s0], $0x800  }
0xb4: {  	[sflag:s0] =	ssyncset.done $0x0  }
0xb5: {  	s3 =	simm.s32 $0x1B580;
	s4 =	simm.s32 $0x1060;
	[sflag:s0] =	ssyncadd.s32 $0xFFFFF800  }
.LBB2_3:
0xb6: {  	v0 =	vld [tilespmem:s4+$0xFFFFFCE0]  }
0xb7: {  	v1 =	vld [tilespmem:s4+$0xFFFFFCF0]  }
0xb8: {  	v2 =	vld [tilespmem:s4+$0xFFFFFD00]  }
0xb9: {  	v3 =	vld [tilespmem:s4+$0xFFFFFD10]  }
0xba: {  	v4 =	vld [tilespmem:s4+$0xFFFFFD20]  }
0xbb: {  	v5 =	vld [tilespmem:s4+$0xFFFFFD30]  }
0xbc: {  	v6 =	vld [tilespmem:s4+$0xFFFFFD40]  }
0xbd: {  	v7 =	vld [tilespmem:s4+$0xFFFFFD50]  }
0xbe: {  	v8 =	vld [tilespmem:s4+$0xFFFFFD60]  }
0xbf: {  	v9 =	vld [tilespmem:s4+$0xFFFFFD70]  }
0xc0: {  	v10 =	vld [tilespmem:s4+$0xFFFFFD80]  }
0xc1: {  	v11 =	vld [tilespmem:s4+$0xFFFFFD90]  }
0xc2: {  	v12 =	vld [tilespmem:s4+$0xFFFFFDA0]  }
0xc3: {  	v13 =	vld [tilespmem:s4+$0xFFFFFDB0]  }
0xc4: {  	v14 =	vld [tilespmem:s4+$0xFFFFFDC0]  }
0xc5: {  	v15 =	vld [tilespmem:s4+$0xFFFFFDD0]  }
0xc6: {  	v16 =	vld [tilespmem:s4+$0xFFFFFDE0]  }
0xc7: {  	v17 =	vld [tilespmem:s4+$0xFFFFFDF0]  }
0xc8: {  	v18 =	vld [tilespmem:s4+$0xFFFFFE00]  }
0xc9: {  	v19 =	vld [tilespmem:s4+$0xFFFFFE10]  }
0xca: {  	v20 =	vld [tilespmem:s4+$0xFFFFFE20]  }
0xcb: {  	v21 =	vld [tilespmem:s4+$0xFFFFFE30]  }
0xcc: {  	v22 =	vld [tilespmem:s4+$0xFFFFFE40]  }
0xcd: {  	v23 =	vld [tilespmem:s4+$0xFFFFFE50]  }
0xce: {  	v24 =	vld [tilespmem:s4+$0xFFFFFE60]  }
0xcf: {  	v25 =	vld [tilespmem:s4+$0xFFFFFE70]  }
0xd0: {  	v26 =	vld [tilespmem:s4+$0xFFFFFE80]  }
0xd1: {  	v27 =	vld [tilespmem:s4+$0xFFFFFE90]  }
0xd2: {  	v28 =	vld [tilespmem:s4+$0xFFFFFEA0]  }
0xd3: {  	v29 =	vld [tilespmem:s4+$0xFFFFFEB0]  }
0xd4: {  	v30 =	vld [tilespmem:s4+$0xFFFFFEC0]  }
0xd5: {  	v31 =	vld [tilespmem:s4+$0xFFFFFED0]  }
0xd6: {  	v32 =	vld [tilespmem:s4+$0xFFFFFEE0]  }
0xd7: {  	v33 =	vld [tilespmem:s4+$0xFFFFFEF0]  }
0xd8: {  	v34 =	vld [tilespmem:s4+$0xFFFFFF00]  }
0xd9: {  	v35 =	vld [tilespmem:s4+$0xFFFFFF10]  }
0xda: {  	v36 =	vld [tilespmem:s4+$0xFFFFFF20]  }
0xdb: {  	v37 =	vld [tilespmem:s4+$0xFFFFFF30]  }
0xdc: {  	v38 =	vld [tilespmem:s4+$0xFFFFFF40]  }
0xdd: {  	v39 =	vld [tilespmem:s4+$0xFFFFFF50]  }
0xde: {  	v40 =	vld [tilespmem:s4+$0xFFFFFF60]  }
0xdf: {  	v41 =	vld [tilespmem:s4+$0xFFFFFF70]  }
0xe0: {  	v42 =	vld [tilespmem:s4+$0xFFFFFF80]  }
0xe1: {  	v43 =	vld [tilespmem:s4+$0xFFFFFF90]  }
0xe2: {  	v44 =	vld [tilespmem:s4+$0xFFFFFFA0]  }
0xe3: {  	v45 =	vld [tilespmem:s4+$0xFFFFFFB0]  }
0xe4: {  	v46 =	vld [tilespmem:s4+$0xFFFFFFC0]  }
0xe5: {  	v47 =	vld [tilespmem:s4+$0xFFFFFFD0]  }
0xe6: {  	v48 =	vld [tilespmem:s4+$0xFFFFFFE0]  }
0xe7: {  	v49 =	vld [tilespmem:s4+$0xFFFFFFF0]  }
0xe8: {  	v50 =	vld [tilespmem:s4+$0x0]  }
0xe9: {  	v51 =	vld [tilespmem:s4+$0x10]  }
0xea: {  	v52 =	vld [tilespmem:s4+$0x20]  }
0xeb: {  	v53 =	vld [tilespmem:s4+$0x30]  }
0xec: {  	v54 =	vld [tilespmem:s4+$0x40]  }
0xed: {  	v55 =	vld [tilespmem:s4+$0x50];
	v0 =	vadd.f32 $0.0e+00, v0;
	v2 =	vadd.f32 $0.0e+00, v2  }
0xee: {  	v56 =	vld [tilespmem:s4+$0x60];
	v1 =	vadd.f32 $0.0e+00, v1;
	v3 =	vadd.f32 $0.0e+00, v3  }
0xef: {  	v57 =	vld [tilespmem:s4+$0xE0];
	v0 =	vadd.f32 v4, v0;
	v2 =	vadd.f32 v6, v2  }
0xf0: {  	v58 =	vld [tilespmem:s4+$0xF0];
	v1 =	vadd.f32 v5, v1;
	v3 =	vadd.f32 v7, v3  }
0xf1: {  	v59 =	vld [tilespmem:s4+$0x100];
	v0 =	vadd.f32 v8, v0;
	v2 =	vadd.f32 v10, v2  }
0xf2: {  	v60 =	vld [tilespmem:s4+$0x110];
	v1 =	vadd.f32 v9, v1;
	v3 =	vadd.f32 v11, v3  }
0xf3: {  	v61 =	vld [tilespmem:s4+$0x120];
	v0 =	vadd.f32 v12, v0;
	v2 =	vadd.f32 v14, v2  }
0xf4: {  	v62 =	vld [tilespmem:s4+$0x130];
	v1 =	vadd.f32 v13, v1;
	v3 =	vadd.f32 v15, v3  }
0xf5: {  	v63 =	vld [tilespmem:s4+$0x140];
	v0 =	vadd.f32 v16, v0;
	v2 =	vadd.f32 v18, v2  }
0xf6: {  	v4 =	vld [tilespmem:s4+$0x70];
	v1 =	vadd.f32 v17, v1;
	v3 =	vadd.f32 v19, v3  }
0xf7: {  	v5 =	vld [tilespmem:s4+$0x80];
	v0 =	vadd.f32 v20, v0;
	v2 =	vadd.f32 v22, v2  }
0xf8: {  	v6 =	vld [tilespmem:s4+$0x90];
	v1 =	vadd.f32 v21, v1;
	v3 =	vadd.f32 v23, v3  }
0xf9: {  	v7 =	vld [tilespmem:s4+$0xA0];
	v0 =	vadd.f32 v24, v0;
	v2 =	vadd.f32 v26, v2  }
0xfa: {  	v8 =	vld [tilespmem:s4+$0xB0];
	v1 =	vadd.f32 v25, v1;
	v3 =	vadd.f32 v27, v3  }
0xfb: {  	v9 =	vld [tilespmem:s4+$0xC0];
	v0 =	vadd.f32 v28, v0;
	v2 =	vadd.f32 v30, v2  }
0xfc: {  	v10 =	vld [tilespmem:s4+$0xD0];
	v1 =	vadd.f32 v29, v1;
	v3 =	vadd.f32 v31, v3  }
0xfd: {  	v0 =	vadd.f32 v32, v0;
	v2 =	vadd.f32 v34, v2;
	v34 =	vld [tilespmem:s4+$0x150]  }
0xfe: {  	v1 =	vadd.f32 v33, v1;
	v3 =	vadd.f32 v35, v3;
	v35 =	vld [tilespmem:s4+$0x160]  }
0xff: {  	v0 =	vadd.f32 v36, v0;
	v2 =	vadd.f32 v38, v2;
	v36 =	vld [tilespmem:s4+$0x170]  }
0x100: {  	v1 =	vadd.f32 v37, v1;
	v3 =	vadd.f32 v39, v3;
	v38 =	vld [tilespmem:s4+$0x180]  }
0x101: {  	v39 =	vld [tilespmem:s4+$0x190];
	v0 =	vadd.f32 v40, v0;
	v2 =	vadd.f32 v42, v2  }
0x102: {  	v1 =	vadd.f32 v41, v1;
	v3 =	vadd.f32 v43, v3;
	v40 =	vld [tilespmem:s4+$0x1A0]  }
0x103: {  	v41 =	vld [tilespmem:s4+$0x1B0];
	v0 =	vadd.f32 v44, v0;
	v2 =	vadd.f32 v46, v2  }
0x104: {  	v42 =	vld [tilespmem:s4+$0x1C0];
	v1 =	vadd.f32 v45, v1;
	v3 =	vadd.f32 v47, v3  }
0x105: {  	v43 =	vld [tilespmem:s4+$0x1D0];
	v0 =	vadd.f32 v48, v0;
	v2 =	vadd.f32 v50, v2  }
0x106: {  	v44 =	vld [tilespmem:s4+$0x1E0];
	v1 =	vadd.f32 v49, v1;
	v3 =	vadd.f32 v51, v3  }
0x107: {  	v45 =	vld [tilespmem:s4+$0x1F0];
	v0 =	vadd.f32 v52, v0;
	v2 =	vadd.f32 v54, v2  }
0x108: {  	v46 =	vld [tilespmem:s4+$0x200];
	v1 =	vadd.f32 v53, v1;
	v3 =	vadd.f32 v55, v3  }
0x109: {  	v47 =	vld [tilespmem:s4+$0x210];
	v0 =	vadd.f32 v56, v0;
	v2 =	vadd.f32 v5, v2  }
0x10a: {  	v48 =	vld [tilespmem:s4+$0x220];
	v1 =	vadd.f32 v4, v1;
	v3 =	vadd.f32 v6, v3  }
0x10b: {  	v49 =	vld [tilespmem:s4+$0x230];
	v0 =	vadd.f32 v7, v0;
	v2 =	vadd.f32 v9, v2  }
0x10c: {  	v50 =	vld [tilespmem:s4+$0x240];
	v1 =	vadd.f32 v8, v1;
	v3 =	vadd.f32 v10, v3  }
0x10d: {  	v51 =	vld [tilespmem:s4+$0x250];
	v0 =	vadd.f32 v57, v0;
	v2 =	vadd.f32 v59, v2  }
0x10e: {  	v52 =	vld [tilespmem:s4+$0x260];
	v1 =	vadd.f32 v58, v1;
	v3 =	vadd.f32 v60, v3  }
0x10f: {  	v53 =	vld [tilespmem:s4+$0x270];
	v0 =	vadd.f32 v61, v0;
	v2 =	vadd.f32 v63, v2  }
0x110: {  	v54 =	vld [tilespmem:s4+$0x280];
	v1 =	vadd.f32 v62, v1;
	v3 =	vadd.f32 v34, v3  }
0x111: {  	v55 =	vld [tilespmem:s4+$0x290];
	v0 =	vadd.f32 v35, v0;
	v2 =	vadd.f32 v38, v2  }
0x112: {  	v56 =	vld [tilespmem:s4+$0x2A0];
	v1 =	vadd.f32 v36, v1;
	v3 =	vadd.f32 v39, v3  }
0x113: {  	v57 =	vld [tilespmem:s4+$0x2B0];
	v0 =	vadd.f32 v40, v0;
	v2 =	vadd.f32 v42, v2  }
0x114: {  	v58 =	vld [tilespmem:s4+$0x2C0];
	v1 =	vadd.f32 v41, v1;
	v3 =	vadd.f32 v43, v3  }
0x115: {  	v59 =	vld [tilespmem:s4+$0x2D0];
	v0 =	vadd.f32 v44, v0;
	v2 =	vadd.f32 v46, v2  }
0x116: {  	v60 =	vld [tilespmem:s4+$0x2E0];
	v1 =	vadd.f32 v45, v1;
	v3 =	vadd.f32 v47, v3  }
0x117: {  	v61 =	vld [tilespmem:s4+$0x2F0];
	v0 =	vadd.f32 v48, v0;
	v2 =	vadd.f32 v50, v2  }
0x118: {  	v62 =	vld [tilespmem:s4+$0x300];
	v1 =	vadd.f32 v49, v1;
	v3 =	vadd.f32 v51, v3  }
0x119: {  	v63 =	vld [tilespmem:s4+$0x310];
	v0 =	vadd.f32 v52, v0;
	v2 =	vadd.f32 v54, v2  }
0x11a: {  	v1 =	vadd.f32 v53, v1;
	v3 =	vadd.f32 v55, v3  }
0x11b: {  	v0 =	vadd.f32 v56, v0;
	v2 =	vadd.f32 v58, v2  }
0x11c: {  	v1 =	vadd.f32 v57, v1;
	v3 =	vadd.f32 v59, v3  }
0x11d: {  	v0 =	vadd.f32 v60, v0;
	v2 =	vadd.f32 v62, v2  }
0x11e: {  	v1 =	vadd.f32 v61, v1;
	v3 =	vadd.f32 v63, v3  }
0x11f: {  	v0 =	vadd.f32 v2, v0  }
0x120: {  	v1 =	vadd.f32 v3, v1  }
0x121: {  	v0 =	vmul.f32 $1.999999960e-02, v0  }
0x122: {  	v1 =	vmul.f32 $1.999999960e-02, v1  }
0x123: {  	[tilespmem:s3+$0xFFFFFFC0] =	vst v0  }
0x124: {  	s5 =	sshra.s32 s2, $0x2;
	[tilespmem:s3+$0xFFFFFFD0] =	vst v1  }
0x125: {  	v0 =	vld [tilespmem:s5+$0x19D40];
	_ =	sdelay $0x4  }
0x126: {  	[tilespmem:s3+$0xFFFFFFE0] =	vst v0  }
0x127: {  	v0 =	vld [tilespmem:s5+$0x19D50];
	_ =	sdelay $0x4  }
0x128: {  	[tilespmem:s3+$0xFFFFFFF0] =	vst v0  }
0x129: {  	v0 =	vld [tilespmem:s5+$0x1A540];
	_ =	sdelay $0x4  }
0x12a: {  	[tilespmem:s3+$0x0] =	vst v0  }
0x12b: {  	v0 =	vld [tilespmem:s5+$0x1A550];
	_ =	sdelay $0x4  }
0x12c: {  	[tilespmem:s3+$0x10] =	vst v0  }
0x12d: {  	v0 =	vld [tilespmem:s5+$0x1AD40];
	_ =	sdelay $0x4  }
0x12e: {  	[tilespmem:s3+$0x20] =	vst v0  }
0x12f: {  	p0 =	sne.s32 s2, $0x1F80;
	v0 =	vld [tilespmem:s5+$0x1AD50]  }
.Ltmp0:
0x130: {  	_ = 	snop;
	(pc) =	sbr.rel @p0 .LBB2_3-.Ltmp0, $2  }
0x131: {  	_ =	sdelay $0x2  }
0x132: {  	s2 =	sadd.s32 $0x80, s2;
	s4 =	sadd.s32 $0x640, s4;
	[tilespmem:s3+$0x30] =	vst v0;
	s3 =	sadd.s32 $0x80, s3  }
0x133: {  	s13 =	sadd.s32 $0x1, s13  }
0x134: {  	s1 =	sshll.u32 s1, $0x4;
	s2 =	rddreg [dreg:$0x4];
	p0 =	sne.s32 s13, $0x8  }
.Ltmp1:
0x135: {  	s5 =	simm.s32 $0x0;
	s1 =	sadd.s32 s2, s1;
	(pc) =	sbr.rel @p0 .LBB2_2-.Ltmp1, $4  }
0x136: {  	[hbm4b:s1+s5] =	stream.linear.scatter [tilespmem:s7], [sflag:$0x2], $0x2000, $0x38;
	[tilespmem:$0x1D540] =	vst v63  }
0x137: {  	_ =	swait.ge [sflag:s14], $0x2000  }
0x138: {  	[sflag:s14] =	ssyncset.done $0x0  }
0x139: {  	[sflag:s14] =	ssyncadd.s32 $0xFFFFE000  }
0x13a: {  	s2 =	rddreg [dreg:$0x7]  }
0x13b: {  	s1 =	rddreg [dreg:$0x6];
	s2 =	sadd.s32 $0x1, s2  }
0x13c: {  	p0 =	sne.s32 s2, s1  }
.Ltmp2:
0x13d: {  	_ = 	snop;
	(pc) =	sbr.rel @p0 .LBB2_1-.Ltmp2, $1  }
0x13e: {  	_ =	sdelay $0x3  }
0x13f: {  	_ =	sfence.sel $0x180000  }
0x140: {  	[bflag:$0x0] =	sbarrier.arrive $0xFFFF  }
0x141: {  	_ =	strace $0x90000047  }
0x142: {  	s0 =	stileid.u32;
	[bflag:$0x2] =	sbarrier.arrive $0xFFFF  }
0x143: {  	p0 =	sne.s32 s0, $0x0;
	s0 =	rddreg [dreg:$0x5]  }
0x144: {  	s0 =	sadd.s32 @!p0 $0x100000, s0  }
0x145: {  	[sflag:s0] =	ssyncadd.tile.s32 @!p0 $0x1;
	_ =	shalt  }
.Lfunc_end2:
_tile_overlayer_lowered:
.L_overlay_start_2:
0x146: {  	(tag) =	ssettag $0x2  }
0x147: {  	s0 =	rddreg [dreg:$0x0];
	s2 =	stileid.u32  }
0x148: {  	s1 =	rddreg [dreg:$0x1];
	p0 =	sne.s32 s2, $0x0  }
0x149: {  	s3 =	rddreg [dreg:$0x2];
	[bflag:$0x3] =	sbarrier.arrive $0xFFFF;
	s2 =	simm.s32 @!p0 $0x1C02  }
0x14a: {  	[timem:s3], [sflag:s2] =	dma.local @!p0 [hbm:s0], s1  }
0x14b: {  	s0 =	simm.s32 @!p0 $0x2  }
0x14c: {  	_ =	swait.ge @!p0 [sflag:s0], s1  }
0x14d: {  	s1 =	ssub.s32 @!p0 $0x0, s1;
	[sflag:s0] =	ssyncset.done @!p0 $0x0  }
0x14e: {  	[sflag:s0] =	ssyncadd.s32 @!p0 s1  }
0x14f: {  	[bflag:$0x3] =	sbarrier.arrive $0xFFFF  }
0x150: {  	_ =	shalt  }

</sc_bundles>
